<compile_context>
chip_gen: v7x
topology: tpu7x:2x2x1
jax: 0.10.2.dev20260603
libtpu: 0.0.44.dev20260713+nightly
codegen_flags: <defaults>
</compile_context>

<pallas_src>
import jax
import jax.numpy as jnp
from jax import lax
from jax.experimental import pallas as pl
from jax.experimental.pallas import tpu as pltpu
from jax.experimental.pallas import tpu_sc as plsc

NUM_CAT = 1024
N_SAMPLES = 8388608
NC = 2
NS = 16
L = 16
NW = NC * NS
PER_W = N_SAMPLES // NW
CHUNK = 16384
NCHUNK = PER_W // CHUNK
VECS = CHUNK // L
HIST = NUM_CAT * L
UNROLL = 2


def _hist_body(loss_hbm, cat_hbm, part_out,
               catbuf0, catbuf1, lossbuf0, lossbuf1,
               hcnt, hsum, rbuf, semA, semB):
    wid = lax.axis_index("s") * NC + lax.axis_index("c")
    base = wid * PER_W
    lane = lax.iota(jnp.int32, L)
    ones = jnp.ones((L,), jnp.float32)
    sems = (semA, semB)
    catbufs = (catbuf0, catbuf1)
    lossbufs = (lossbuf0, lossbuf1)

    def start(k, b):
        hc = pltpu.async_copy(cat_hbm.at[pl.ds(base + k * CHUNK, CHUNK)],
                              catbufs[b], sems[b])
        hl = pltpu.async_copy(loss_hbm.at[pl.ds(base + k * CHUNK, CHUNK)],
                              lossbufs[b], sems[b])
        return hc, hl

    pending = {0: start(0, 0)}

    def zbody(i, _):
        z = jnp.zeros((L,), jnp.float32)
        for j in range(8):
            hcnt[pl.ds(i * 8 * L + j * L, L)] = z
            hsum[pl.ds(i * 8 * L + j * L, L)] = z
        return 0
    lax.fori_loop(0, NUM_CAT // 8, zbody, 0)

    for k in range(NCHUNK):
        b = k % 2
        if k + 1 < NCHUNK:
            pending[k + 1] = start(k + 1, 1 - b)
        hc, hl = pending.pop(k)
        hc.wait()
        hl.wait()
        cb = catbufs[b]
        lb = lossbufs[b]

        @plsc.parallel_loop(0, VECS, step=UNROLL)
        def body(i):
            base_i = i * L
            cvs = [cb[pl.ds(base_i + j * L, L)] for j in range(UNROLL)]
            lvs = [lb[pl.ds(base_i + j * L, L)] for j in range(UNROLL)]
            idxs = [cvs[j] * L + lane for j in range(UNROLL)]
            for j in range(UNROLL):
                plsc.addupdate_scatter(hcnt, [idxs[j]], ones)
            for j in range(UNROLL):
                plsc.addupdate_scatter(hsum, [idxs[j]], lvs[j])

    def rbody(j, _):
        b16 = (j * L + lane) * L
        acc_c = jnp.zeros((L,), jnp.float32)
        acc_s = jnp.zeros((L,), jnp.float32)
        for l in range(L):
            idx = b16 + (l ^ lane)
            acc_c = acc_c + plsc.load_gather(hcnt, [idx])
            acc_s = acc_s + plsc.load_gather(hsum, [idx])
        rbuf[pl.ds(j * L, L)] = acc_c
        rbuf[pl.ds(NUM_CAT + j * L, L)] = acc_s
        return 0
    lax.fori_loop(0, NUM_CAT // L, rbody, 0)

    pltpu.sync_copy(rbuf, part_out.at[wid])


_hist_kernel = pl.kernel(
    _hist_body,
    out_type=jax.ShapeDtypeStruct((NW, 2 * NUM_CAT), jnp.float32),
    mesh=plsc.VectorSubcoreMesh(core_axis_name="c", subcore_axis_name="s"),
    scratch_types=[
        pltpu.VMEM((CHUNK,), jnp.int32),
        pltpu.VMEM((CHUNK,), jnp.int32),
        pltpu.VMEM((CHUNK,), jnp.float32),
        pltpu.VMEM((CHUNK,), jnp.float32),
        pltpu.VMEM((HIST,), jnp.float32),
        pltpu.VMEM((HIST,), jnp.float32),
        pltpu.VMEM((2 * NUM_CAT,), jnp.float32),
        pltpu.SemaphoreType.DMA,
        pltpu.SemaphoreType.DMA,
    ],
    compiler_params=pltpu.CompilerParams(needs_layout_passes=False),
)


def _finish_body(part_ref, p_ref, out_ref):
    cnt = jnp.sum(part_ref[:, :NUM_CAT], axis=0, keepdims=True)
    s = jnp.sum(part_ref[:, NUM_CAT:], axis=0, keepdims=True)
    pv = p_ref[...]
    m = jnp.max(pv)
    e = jnp.exp(pv - m)
    num = jnp.sum(e * s / jnp.maximum(cnt, 1.0))
    den = jnp.sum(e)
    out_ref[0, 0] = num / den


_finish = pl.pallas_call(
    _finish_body,
    out_shape=jax.ShapeDtypeStruct((1, 1), jnp.float32),
    out_specs=pl.BlockSpec(memory_space=pltpu.SMEM),
)


@jax.jit
def kernel(per_sample_loss, per_sample_catogary, p):
    cat = per_sample_catogary.astype(jnp.int32)
    parts = _hist_kernel(per_sample_loss, cat)
    out = _finish(parts, p.reshape(1, NUM_CAT))
    return out[0, 0]

# --- scband reference (transcript-rebuilt; emitter-appended) ---
"""Pipeline reference for scband-samp-prob-4217657885242 (READ-ONLY COPY).

The authoritative reference and input builder live on the scoring server;
editing this copy changes nothing except your own understanding.
"""

import jax, jax.numpy as jnp
import numpy as np

NUM_PARTITIONS = 1024
N = 8388608

def setup_inputs(seed: int = 0) -> dict:
    key = jax.random.key(seed)
    k1, k2 = jax.random.split(key)
    per_sample_loss = jax.random.normal(k1, (N,), dtype=jnp.float32)
    per_sample_catogary = jax.random.randint(k2, (N,), 0, NUM_PARTITIONS, dtype=jnp.int64 if jax.config.jax_enable_x64 else jnp.int32)
    p = jnp.zeros((NUM_PARTITIONS,), dtype=jnp.float32)
    return {"per_sample_loss": per_sample_loss, "per_sample_catogary": per_sample_catogary, "p": p}

def reference(per_sample_loss, per_sample_catogary, p):
    samp_prob = jax.nn.softmax(p, axis=0)
    w = jnp.take(samp_prob, per_sample_catogary, axis=0)
    counts = jnp.bincount(per_sample_catogary, length=NUM_PARTITIONS)
    inv_counts = 1.0 / jnp.take(counts, per_sample_catogary, axis=0).astype(jnp.float32)
    weight = jnp.multiply(inv_counts, w)
    loss = jnp.dot(weight, per_sample_loss)
    return loss

if __name__ == "__main__":
    import jax
    _d = setup_inputs()
    print(jax.jit(kernel)(*tuple(_d.values())))

</pallas_src>

<mosaic_0001>
#map = affine_map<(d0, d1) -> (0)>
#map1 = affine_map<(d0, d1) -> (0, 0)>
module attributes {stable_mosaic.version = 14 : i64} {
  func.func @_hist_body(%arg0: i32, %arg1: i32, %arg2: memref<8388608xf32, #tpu.memory_space<hbm>>, %arg3: memref<8388608xi32, #tpu.memory_space<hbm>>, %arg4: memref<32x2048xf32, #tpu.memory_space<hbm>>, %arg5: memref<16384xi32, #tpu.memory_space<vmem>>, %arg6: memref<16384xi32, #tpu.memory_space<vmem>>, %arg7: memref<16384xf32, #tpu.memory_space<vmem>>, %arg8: memref<16384xf32, #tpu.memory_space<vmem>>, %arg9: memref<16384xf32, #tpu.memory_space<vmem>>, %arg10: memref<16384xf32, #tpu.memory_space<vmem>>, %arg11: memref<2048xf32, #tpu.memory_space<vmem>>, %arg12: memref<!tpu.dma_semaphore, #tpu.memory_space<semaphore_mem>>, %arg13: memref<!tpu.dma_semaphore, #tpu.memory_space<semaphore_mem>>) attributes {dimension_semantics = [#tpu.dimension_semantics<core_parallel>, #tpu.dimension_semantics<subcore_parallel>], iteration_bounds = array<i64: 2, 16>, scalar_prefetch = 0 : i64, scratch_operands = 9 : i64, tpu.core_type = #tpu.core_type<sc_vector_subcore>, window_params = [{transform_indices = #map}, {transform_indices = #map}, {transform_indices = #map1}]} {
    %mul3A = arith.constant 2 : i32
    %mul3A_0 = arith.muli %arg1, %mul3A : i32
    %add3A = arith.addi %mul3A_0, %arg0 : i32
    %mul3A_1 = arith.constant 262144 : i32
    %mul3A_2 = arith.muli %add3A, %mul3A_1 : i32
    %iota3A = tpu.iota {dimensions = array<i32: 0>} : vector<16xi32>
    %broadcast_in_dim3A = arith.constant 1.000000e+00 : f32
    %broadcast_in_dim3A_3 = vector.broadcast %broadcast_in_dim3A : f32 to vector<16xf32>
    %add3A_4 = arith.constant 0 : i32
    %add3A_5 = arith.addi %mul3A_2, %add3A_4 : i32
    %dma_start3A = tpu.memref_slice %arg3[%add3A_5] : memref<8388608xi32, #tpu.memory_space<hbm>> -> memref<16384xi32, #tpu.memory_space<hbm>>
    %dma_start3A_6 = tpu.memref_slice %arg3[%add3A_5] : memref<8388608xi32, #tpu.memory_space<hbm>> -> memref<16384xi32, #tpu.memory_space<hbm>>
    tpu.enqueue_dma source(%dma_start3A_6 : memref<16384xi32, #tpu.memory_space<hbm>>) target(%arg5 : memref<16384xi32, #tpu.memory_space<vmem>>) target_semaphore(%arg12 : memref<!tpu.dma_semaphore, #tpu.memory_space<semaphore_mem>>)
    %add3A_7 = arith.constant 0 : i32
    %add3A_8 = arith.addi %mul3A_2, %add3A_7 : i32
    %dma_start3A_9 = tpu.memref_slice %arg2[%add3A_8] : memref<8388608xf32, #tpu.memory_space<hbm>> -> memref<16384xf32, #tpu.memory_space<hbm>>
    %dma_start3A_10 = tpu.memref_slice %arg2[%add3A_8] : memref<8388608xf32, #tpu.memory_space<hbm>> -> memref<16384xf32, #tpu.memory_space<hbm>>
    tpu.enqueue_dma source(%dma_start3A_10 : memref<16384xf32, #tpu.memory_space<hbm>>) target(%arg7 : memref<16384xf32, #tpu.memory_space<vmem>>) target_semaphore(%arg12 : memref<!tpu.dma_semaphore, #tpu.memory_space<semaphore_mem>>)
    %scan3A = arith.constant 0 : i32
    %scan3A_11 = arith.constant 0 : i32
    %scan3A_12 = arith.constant 128 : i32
    %scan3A_13 = arith.addi %scan3A_11, %scan3A_12 : i32
    %scan3A_14 = arith.constant 1 : i32
    %scan3A_15 = scf.for %scan3A_254 = %scan3A_11 to %scan3A_13 step %scan3A_14 iter_args(%scan3A_255 = %scan3A) -> (i32)  : i32 {
      %broadcast_in_dim3A_256 = arith.constant 0.000000e+00 : f32
      %broadcast_in_dim3A_257 = vector.broadcast %broadcast_in_dim3A_256 : f32 to vector<16xf32>
      %mul3A_258 = arith.constant 8 : i32
      %mul3A_259 = arith.muli %scan3A_254, %mul3A_258 : i32
      %mul3A_260 = arith.constant 16 : i32
      %mul3A_261 = arith.muli %mul3A_259, %mul3A_260 : i32
      %add3A_262 = arith.constant 0 : i32
      %add3A_263 = arith.addi %mul3A_261, %add3A_262 : i32
      %swap3A = arith.index_cast %add3A_263 : i32 to index
      %swap3A_264 = tpu.vector_load %arg9[%swap3A] {strides = array<i32>} : memref<16384xf32, #tpu.memory_space<vmem>>, vector<16xf32>,
      tpu.vector_store %arg9[%swap3A], %broadcast_in_dim3A_257 {strides = array<i32>} : memref<16384xf32, #tpu.memory_space<vmem>>, vector<16xf32>,
      %mul3A_265 = arith.constant 8 : i32
      %mul3A_266 = arith.muli %scan3A_254, %mul3A_265 : i32
      %mul3A_267 = arith.constant 16 : i32
      %mul3A_268 = arith.muli %mul3A_266, %mul3A_267 : i32
      %add3A_269 = arith.constant 0 : i32
      %add3A_270 = arith.addi %mul3A_268, %add3A_269 : i32
      %swap3A_271 = arith.index_cast %add3A_270 : i32 to index
      %swap3A_272 = tpu.vector_load %arg10[%swap3A_271] {strides = array<i32>} : memref<16384xf32, #tpu.memory_space<vmem>>, vector<16xf32>,
      tpu.vector_store %arg10[%swap3A_271], %broadcast_in_dim3A_257 {strides = array<i32>} : memref<16384xf32, #tpu.memory_space<vmem>>, vector<16xf32>,
      %mul3A_273 = arith.constant 8 : i32
      %mul3A_274 = arith.muli %scan3A_254, %mul3A_273 : i32
      %mul3A_275 = arith.constant 16 : i32
      %mul3A_276 = arith.muli %mul3A_274, %mul3A_275 : i32
      %add3A_277 = arith.constant 16 : i32
      %add3A_278 = arith.addi %mul3A_276, %add3A_277 : i32
      %swap3A_279 = arith.index_cast %add3A_278 : i32 to index
      %swap3A_280 = tpu.vector_load %arg9[%swap3A_279] {strides = array<i32>} : memref<16384xf32, #tpu.memory_space<vmem>>, vector<16xf32>,
      tpu.vector_store %arg9[%swap3A_279], %broadcast_in_dim3A_257 {strides = array<i32>} : memref<16384xf32, #tpu.memory_space<vmem>>, vector<16xf32>,
      %mul3A_281 = arith.constant 8 : i32
      %mul3A_282 = arith.muli %scan3A_254, %mul3A_281 : i32
      %mul3A_283 = arith.constant 16 : i32
      %mul3A_284 = arith.muli %mul3A_282, %mul3A_283 : i32
      %add3A_285 = arith.constant 16 : i32
      %add3A_286 = arith.addi %mul3A_284, %add3A_285 : i32
      %swap3A_287 = arith.index_cast %add3A_286 : i32 to index
      %swap3A_288 = tpu.vector_load %arg10[%swap3A_287] {strides = array<i32>} : memref<16384xf32, #tpu.memory_space<vmem>>, vector<16xf32>,
      tpu.vector_store %arg10[%swap3A_287], %broadcast_in_dim3A_257 {strides = array<i32>} : memref<16384xf32, #tpu.memory_space<vmem>>, vector<16xf32>,
      %mul3A_289 = arith.constant 8 : i32
      %mul3A_290 = arith.muli %scan3A_254, %mul3A_289 : i32
      %mul3A_291 = arith.constant 16 : i32
      %mul3A_292 = arith.muli %mul3A_290, %mul3A_291 : i32
      %add3A_293 = arith.constant 32 : i32
      %add3A_294 = arith.addi %mul3A_292, %add3A_293 : i32
      %swap3A_295 = arith.index_cast %add3A_294 : i32 to index
      %swap3A_296 = tpu.vector_load %arg9[%swap3A_295] {strides = array<i32>} : memref<16384xf32, #tpu.memory_space<vmem>>, vector<16xf32>,
      tpu.vector_store %arg9[%swap3A_295], %broadcast_in_dim3A_257 {strides = array<i32>} : memref<16384xf32, #tpu.memory_space<vmem>>, vector<16xf32>,
      %mul3A_297 = arith.constant 8 : i32
      %mul3A_298 = arith.muli %scan3A_254, %mul3A_297 : i32
      %mul3A_299 = arith.constant 16 : i32
      %mul3A_300 = arith.muli %mul3A_298, %mul3A_299 : i32
      %add3A_301 = arith.constant 32 : i32
      %add3A_302 = arith.addi %mul3A_300, %add3A_301 : i32
      %swap3A_303 = arith.index_cast %add3A_302 : i32 to index
      %swap3A_304 = tpu.vector_load %arg10[%swap3A_303] {strides = array<i32>} : memref<16384xf32, #tpu.memory_space<vmem>>, vector<16xf32>,
      tpu.vector_store %arg10[%swap3A_303], %broadcast_in_dim3A_257 {strides = array<i32>} : memref<16384xf32, #tpu.memory_space<vmem>>, vector<16xf32>,
      %mul3A_305 = arith.constant 8 : i32
      %mul3A_306 = arith.muli %scan3A_254, %mul3A_305 : i32
      %mul3A_307 = arith.constant 16 : i32
      %mul3A_308 = arith.muli %mul3A_306, %mul3A_307 : i32
      %add3A_309 = arith.constant 48 : i32
      %add3A_310 = arith.addi %mul3A_308, %add3A_309 : i32
      %swap3A_311 = arith.index_cast %add3A_310 : i32 to index
      %swap3A_312 = tpu.vector_load %arg9[%swap3A_311] {strides = array<i32>} : memref<16384xf32, #tpu.memory_space<vmem>>, vector<16xf32>,
      tpu.vector_store %arg9[%swap3A_311], %broadcast_in_dim3A_257 {strides = array<i32>} : memref<16384xf32, #tpu.memory_space<vmem>>, vector<16xf32>,
      %mul3A_313 = arith.constant 8 : i32
      %mul3A_314 = arith.muli %scan3A_254, %mul3A_313 : i32
      %mul3A_315 = arith.constant 16 : i32
      %mul3A_316 = arith.muli %mul3A_314, %mul3A_315 : i32
      %add3A_317 = arith.constant 48 : i32
      %add3A_318 = arith.addi %mul3A_316, %add3A_317 : i32
      %swap3A_319 = arith.index_cast %add3A_318 : i32 to index
      %swap3A_320 = tpu.vector_load %arg10[%swap3A_319] {strides = array<i32>} : memref<16384xf32, #tpu.memory_space<vmem>>, vector<16xf32>,
      tpu.vector_store %arg10[%swap3A_319], %broadcast_in_dim3A_257 {strides = array<i32>} : memref<16384xf32, #tpu.memory_space<vmem>>, vector<16xf32>,
      %mul3A_321 = arith.constant 8 : i32
      %mul3A_322 = arith.muli %scan3A_254, %mul3A_321 : i32
      %mul3A_323 = arith.constant 16 : i32
      %mul3A_324 = arith.muli %mul3A_322, %mul3A_323 : i32
      %add3A_325 = arith.constant 64 : i32
      %add3A_326 = arith.addi %mul3A_324, %add3A_325 : i32
      %swap3A_327 = arith.index_cast %add3A_326 : i32 to index
      %swap3A_328 = tpu.vector_load %arg9[%swap3A_327] {strides = array<i32>} : memref<16384xf32, #tpu.memory_space<vmem>>, vector<16xf32>,
      tpu.vector_store %arg9[%swap3A_327], %broadcast_in_dim3A_257 {strides = array<i32>} : memref<16384xf32, #tpu.memory_space<vmem>>, vector<16xf32>,
      %mul3A_329 = arith.constant 8 : i32
      %mul3A_330 = arith.muli %scan3A_254, %mul3A_329 : i32
      %mul3A_331 = arith.constant 16 : i32
      %mul3A_332 = arith.muli %mul3A_330, %mul3A_331 : i32
      %add3A_333 = arith.constant 64 : i32
      %add3A_334 = arith.addi %mul3A_332, %add3A_333 : i32
      %swap3A_335 = arith.index_cast %add3A_334 : i32 to index
      %swap3A_336 = tpu.vector_load %arg10[%swap3A_335] {strides = array<i32>} : memref<16384xf32, #tpu.memory_space<vmem>>, vector<16xf32>,
      tpu.vector_store %arg10[%swap3A_335], %broadcast_in_dim3A_257 {strides = array<i32>} : memref<16384xf32, #tpu.memory_space<vmem>>, vector<16xf32>,
      %mul3A_337 = arith.constant 8 : i32
      %mul3A_338 = arith.muli %scan3A_254, %mul3A_337 : i32
      %mul3A_339 = arith.constant 16 : i32
      %mul3A_340 = arith.muli %mul3A_338, %mul3A_339 : i32
      %add3A_341 = arith.constant 80 : i32
      %add3A_342 = arith.addi %mul3A_340, %add3A_341 : i32
      %swap3A_343 = arith.index_cast %add3A_342 : i32 to index
      %swap3A_344 = tpu.vector_load %arg9[%swap3A_343] {strides = array<i32>} : memref<16384xf32, #tpu.memory_space<vmem>>, vector<16xf32>,
      tpu.vector_store %arg9[%swap3A_343], %broadcast_in_dim3A_257 {strides = array<i32>} : memref<16384xf32, #tpu.memory_space<vmem>>, vector<16xf32>,
      %mul3A_345 = arith.constant 8 : i32
      %mul3A_346 = arith.muli %scan3A_254, %mul3A_345 : i32
      %mul3A_347 = arith.constant 16 : i32
      %mul3A_348 = arith.muli %mul3A_346, %mul3A_347 : i32
      %add3A_349 = arith.constant 80 : i32
      %add3A_350 = arith.addi %mul3A_348, %add3A_349 : i32
      %swap3A_351 = arith.index_cast %add3A_350 : i32 to index
      %swap3A_352 = tpu.vector_load %arg10[%swap3A_351] {strides = array<i32>} : memref<16384xf32, #tpu.memory_space<vmem>>, vector<16xf32>,
      tpu.vector_store %arg10[%swap3A_351], %broadcast_in_dim3A_257 {strides = array<i32>} : memref<16384xf32, #tpu.memory_space<vmem>>, vector<16xf32>,
      %mul3A_353 = arith.constant 8 : i32
      %mul3A_354 = arith.muli %scan3A_254, %mul3A_353 : i32
      %mul3A_355 = arith.constant 16 : i32
      %mul3A_356 = arith.muli %mul3A_354, %mul3A_355 : i32
      %add3A_357 = arith.constant 96 : i32
      %add3A_358 = arith.addi %mul3A_356, %add3A_357 : i32
      %swap3A_359 = arith.index_cast %add3A_358 : i32 to index
      %swap3A_360 = tpu.vector_load %arg9[%swap3A_359] {strides = array<i32>} : memref<16384xf32, #tpu.memory_space<vmem>>, vector<16xf32>,
      tpu.vector_store %arg9[%swap3A_359], %broadcast_in_dim3A_257 {strides = array<i32>} : memref<16384xf32, #tpu.memory_space<vmem>>, vector<16xf32>,
      %mul3A_361 = arith.constant 8 : i32
      %mul3A_362 = arith.muli %scan3A_254, %mul3A_361 : i32
      %mul3A_363 = arith.constant 16 : i32
      %mul3A_364 = arith.muli %mul3A_362, %mul3A_363 : i32
      %add3A_365 = arith.constant 96 : i32
      %add3A_366 = arith.addi %mul3A_364, %add3A_365 : i32
      %swap3A_367 = arith.index_cast %add3A_366 : i32 to index
      %swap3A_368 = tpu.vector_load %arg10[%swap3A_367] {strides = array<i32>} : memref<16384xf32, #tpu.memory_space<vmem>>, vector<16xf32>,
      tpu.vector_store %arg10[%swap3A_367], %broadcast_in_dim3A_257 {strides = array<i32>} : memref<16384xf32, #tpu.memory_space<vmem>>, vector<16xf32>,
      %mul3A_369 = arith.constant 8 : i32
      %mul3A_370 = arith.muli %scan3A_254, %mul3A_369 : i32
      %mul3A_371 = arith.constant 16 : i32
      %mul3A_372 = arith.muli %mul3A_370, %mul3A_371 : i32
      %add3A_373 = arith.constant 112 : i32
      %add3A_374 = arith.addi %mul3A_372, %add3A_373 : i32
      %swap3A_375 = arith.index_cast %add3A_374 : i32 to index
      %swap3A_376 = tpu.vector_load %arg9[%swap3A_375] {strides = array<i32>} : memref<16384xf32, #tpu.memory_space<vmem>>, vector<16xf32>,
      tpu.vector_store %arg9[%swap3A_375], %broadcast_in_dim3A_257 {strides = array<i32>} : memref<16384xf32, #tpu.memory_space<vmem>>, vector<16xf32>,
      %mul3A_377 = arith.constant 8 : i32
      %mul3A_378 = arith.muli %scan3A_254, %mul3A_377 : i32
      %mul3A_379 = arith.constant 16 : i32
      %mul3A_380 = arith.muli %mul3A_378, %mul3A_379 : i32
      %add3A_381 = arith.constant 112 : i32
      %add3A_382 = arith.addi %mul3A_380, %add3A_381 : i32
      %swap3A_383 = arith.index_cast %add3A_382 : i32 to index
      %swap3A_384 = tpu.vector_load %arg10[%swap3A_383] {strides = array<i32>} : memref<16384xf32, #tpu.memory_space<vmem>>, vector<16xf32>,
      tpu.vector_store %arg10[%swap3A_383], %broadcast_in_dim3A_257 {strides = array<i32>} : memref<16384xf32, #tpu.memory_space<vmem>>, vector<16xf32>,
      %scan3A_385 = arith.constant 0 : i32
      scf.yield %scan3A_385 : i32
    }
    %scan3A_16 = arith.constant 128 : i32
    %add3A_17 = arith.constant 16384 : i32
    %add3A_18 = arith.addi %mul3A_2, %add3A_17 : i32
    %dma_start3A_19 = tpu.memref_slice %arg3[%add3A_18] : memref<8388608xi32, #tpu.memory_space<hbm>> -> memref<16384xi32, #tpu.memory_space<hbm>>
    %dma_start3A_20 = tpu.memref_slice %arg3[%add3A_18] : memref<8388608xi32, #tpu.memory_space<hbm>> -> memref<16384xi32, #tpu.memory_space<hbm>>
    tpu.enqueue_dma source(%dma_start3A_20 : memref<16384xi32, #tpu.memory_space<hbm>>) target(%arg6 : memref<16384xi32, #tpu.memory_space<vmem>>) target_semaphore(%arg13 : memref<!tpu.dma_semaphore, #tpu.memory_space<semaphore_mem>>)
    %add3A_21 = arith.constant 16384 : i32
    %add3A_22 = arith.addi %mul3A_2, %add3A_21 : i32
    %dma_start3A_23 = tpu.memref_slice %arg2[%add3A_22] : memref<8388608xf32, #tpu.memory_space<hbm>> -> memref<16384xf32, #tpu.memory_space<hbm>>
    %dma_start3A_24 = tpu.memref_slice %arg2[%add3A_22] : memref<8388608xf32, #tpu.memory_space<hbm>> -> memref<16384xf32, #tpu.memory_space<hbm>>
    tpu.enqueue_dma source(%dma_start3A_24 : memref<16384xf32, #tpu.memory_space<hbm>>) target(%arg8 : memref<16384xf32, #tpu.memory_space<vmem>>) target_semaphore(%arg13 : memref<!tpu.dma_semaphore, #tpu.memory_space<semaphore_mem>>)
    %dma_wait3A = tpu.memref_slice %arg3[%add3A_5] : memref<8388608xi32, #tpu.memory_space<hbm>> -> memref<16384xi32, #tpu.memory_space<hbm>>
    %dma_wait3A_25 = tpu.memref_slice %arg3[%add3A_5] : memref<8388608xi32, #tpu.memory_space<hbm>> -> memref<16384xi32, #tpu.memory_space<hbm>>
    tpu.wait_dma2 semaphore(%arg12 : memref<!tpu.dma_semaphore, #tpu.memory_space<semaphore_mem>>) src(%dma_wait3A_25 : memref<16384xi32, #tpu.memory_space<hbm>>) dst(%arg5 : memref<16384xi32, #tpu.memory_space<vmem>>)
    %dma_wait3A_26 = tpu.memref_slice %arg2[%add3A_8] : memref<8388608xf32, #tpu.memory_space<hbm>> -> memref<16384xf32, #tpu.memory_space<hbm>>
    %dma_wait3A_27 = tpu.memref_slice %arg2[%add3A_8] : memref<8388608xf32, #tpu.memory_space<hbm>> -> memref<16384xf32, #tpu.memory_space<hbm>>
    tpu.wait_dma2 semaphore(%arg12 : memref<!tpu.dma_semaphore, #tpu.memory_space<semaphore_mem>>) src(%dma_wait3A_27 : memref<16384xf32, #tpu.memory_space<hbm>>) dst(%arg7 : memref<16384xf32, #tpu.memory_space<vmem>>)
    %parallel_loop3A = arith.constant 0 : i32
    %parallel_loop3A_28 = arith.constant 1024 : i32
    %parallel_loop3A_29 = arith.constant 2 : i32
    scf.for %parallel_loop3A_254 = %parallel_loop3A to %parallel_loop3A_28 step %parallel_loop3A_29  : i32 {
      %parallel_loop3A_255 = arith.constant 16 : i32
      %parallel_loop3A_256 = arith.muli %parallel_loop3A_254, %parallel_loop3A_255 : i32
      %parallel_loop3A_257 = arith.constant 0 : i32
      %parallel_loop3A_258 = arith.addi %parallel_loop3A_256, %parallel_loop3A_257 : i32
      %parallel_loop3A_259 = arith.index_cast %parallel_loop3A_258 : i32 to index
      %parallel_loop3A_260 = tpu.vector_load %arg5[%parallel_loop3A_259] {strides = array<i32>} : memref<16384xi32, #tpu.memory_space<vmem>>, vector<16xi32>,
      %parallel_loop3A_261 = arith.constant 16 : i32
      %parallel_loop3A_262 = arith.addi %parallel_loop3A_256, %parallel_loop3A_261 : i32
      %parallel_loop3A_263 = arith.index_cast %parallel_loop3A_262 : i32 to index
      %parallel_loop3A_264 = tpu.vector_load %arg5[%parallel_loop3A_263] {strides = array<i32>} : memref<16384xi32, #tpu.memory_space<vmem>>, vector<16xi32>,
      %parallel_loop3A_265 = arith.constant 0 : i32
      %parallel_loop3A_266 = arith.addi %parallel_loop3A_256, %parallel_loop3A_265 : i32
      %parallel_loop3A_267 = arith.index_cast %parallel_loop3A_266 : i32 to index
      %parallel_loop3A_268 = tpu.vector_load %arg7[%parallel_loop3A_267] {strides = array<i32>} : memref<16384xf32, #tpu.memory_space<vmem>>, vector<16xf32>,
      %parallel_loop3A_269 = arith.constant 16 : i32
      %parallel_loop3A_270 = arith.addi %parallel_loop3A_256, %parallel_loop3A_269 : i32
      %parallel_loop3A_271 = arith.index_cast %parallel_loop3A_270 : i32 to index
      %parallel_loop3A_272 = tpu.vector_load %arg7[%parallel_loop3A_271] {strides = array<i32>} : memref<16384xf32, #tpu.memory_space<vmem>>, vector<16xf32>,
      %parallel_loop3A_273 = arith.constant 16 : i32
      %parallel_loop3A_274 = vector.broadcast %parallel_loop3A_273 : i32 to vector<16xi32>
      %parallel_loop3A_275 = arith.muli %parallel_loop3A_260, %parallel_loop3A_274 : vector<16xi32>
      %parallel_loop3A_276 = arith.addi %parallel_loop3A_275, %iota3A : vector<16xi32>
      %parallel_loop3A_277 = arith.constant 16 : i32
      %parallel_loop3A_278 = vector.broadcast %parallel_loop3A_277 : i32 to vector<16xi32>
      %parallel_loop3A_279 = arith.muli %parallel_loop3A_264, %parallel_loop3A_278 : vector<16xi32>
      %parallel_loop3A_280 = arith.addi %parallel_loop3A_279, %iota3A : vector<16xi32>
      tpu.vector_store_idx %arg9[%parallel_loop3A_276], %broadcast_in_dim3A_3 {add = true} : memref<16384xf32, #tpu.memory_space<vmem>>[vector<16xi32>], vector<16xf32>,
      tpu.vector_store_idx %arg9[%parallel_loop3A_280], %broadcast_in_dim3A_3 {add = true} : memref<16384xf32, #tpu.memory_space<vmem>>[vector<16xi32>], vector<16xf32>,
      tpu.vector_store_idx %arg10[%parallel_loop3A_276], %parallel_loop3A_268 {add = true} : memref<16384xf32, #tpu.memory_space<vmem>>[vector<16xi32>], vector<16xf32>,
      tpu.vector_store_idx %arg10[%parallel_loop3A_280], %parallel_loop3A_272 {add = true} : memref<16384xf32, #tpu.memory_space<vmem>>[vector<16xi32>], vector<16xf32>,
    } {sc.loop_unroll_factor = 1 : i64, sc.parallel_access}
    %add3A_30 = arith.constant 32768 : i32
    %add3A_31 = arith.addi %mul3A_2, %add3A_30 : i32
    %dma_start3A_32 = tpu.memref_slice %arg3[%add3A_31] : memref<8388608xi32, #tpu.memory_space<hbm>> -> memref<16384xi32, #tpu.memory_space<hbm>>
    %dma_start3A_33 = tpu.memref_slice %arg3[%add3A_31] : memref<8388608xi32, #tpu.memory_space<hbm>> -> memref<16384xi32, #tpu.memory_space<hbm>>
    tpu.enqueue_dma source(%dma_start3A_33 : memref<16384xi32, #tpu.memory_space<hbm>>) target(%arg5 : memref<16384xi32, #tpu.memory_space<vmem>>) target_semaphore(%arg12 : memref<!tpu.dma_semaphore, #tpu.memory_space<semaphore_mem>>)
    %add3A_34 = arith.constant 32768 : i32
    %add3A_35 = arith.addi %mul3A_2, %add3A_34 : i32
    %dma_start3A_36 = tpu.memref_slice %arg2[%add3A_35] : memref<8388608xf32, #tpu.memory_space<hbm>> -> memref<16384xf32, #tpu.memory_space<hbm>>
    %dma_start3A_37 = tpu.memref_slice %arg2[%add3A_35] : memref<8388608xf32, #tpu.memory_space<hbm>> -> memref<16384xf32, #tpu.memory_space<hbm>>
    tpu.enqueue_dma source(%dma_start3A_37 : memref<16384xf32, #tpu.memory_space<hbm>>) target(%arg7 : memref<16384xf32, #tpu.memory_space<vmem>>) target_semaphore(%arg12 : memref<!tpu.dma_semaphore, #tpu.memory_space<semaphore_mem>>)
    %dma_wait3A_38 = tpu.memref_slice %arg3[%add3A_18] : memref<8388608xi32, #tpu.memory_space<hbm>> -> memref<16384xi32, #tpu.memory_space<hbm>>
    %dma_wait3A_39 = tpu.memref_slice %arg3[%add3A_18] : memref<8388608xi32, #tpu.memory_space<hbm>> -> memref<16384xi32, #tpu.memory_space<hbm>>
    tpu.wait_dma2 semaphore(%arg13 : memref<!tpu.dma_semaphore, #tpu.memory_space<semaphore_mem>>) src(%dma_wait3A_39 : memref<16384xi32, #tpu.memory_space<hbm>>) dst(%arg6 : memref<16384xi32, #tpu.memory_space<vmem>>)
    %dma_wait3A_40 = tpu.memref_slice %arg2[%add3A_22] : memref<8388608xf32, #tpu.memory_space<hbm>> -> memref<16384xf32, #tpu.memory_space<hbm>>
    %dma_wait3A_41 = tpu.memref_slice %arg2[%add3A_22] : memref<8388608xf32, #tpu.memory_space<hbm>> -> memref<16384xf32, #tpu.memory_space<hbm>>
    tpu.wait_dma2 semaphore(%arg13 : memref<!tpu.dma_semaphore, #tpu.memory_space<semaphore_mem>>) src(%dma_wait3A_41 : memref<16384xf32, #tpu.memory_space<hbm>>) dst(%arg8 : memref<16384xf32, #tpu.memory_space<vmem>>)
    %parallel_loop3A_42 = arith.constant 0 : i32
    %parallel_loop3A_43 = arith.constant 1024 : i32
    %parallel_loop3A_44 = arith.constant 2 : i32
    scf.for %parallel_loop3A_254 = %parallel_loop3A_42 to %parallel_loop3A_43 step %parallel_loop3A_44  : i32 {
      %parallel_loop3A_255 = arith.constant 16 : i32
      %parallel_loop3A_256 = arith.muli %parallel_loop3A_254, %parallel_loop3A_255 : i32
      %parallel_loop3A_257 = arith.constant 0 : i32
      %parallel_loop3A_258 = arith.addi %parallel_loop3A_256, %parallel_loop3A_257 : i32
      %parallel_loop3A_259 = arith.index_cast %parallel_loop3A_258 : i32 to index
      %parallel_loop3A_260 = tpu.vector_load %arg6[%parallel_loop3A_259] {strides = array<i32>} : memref<16384xi32, #tpu.memory_space<vmem>>, vector<16xi32>,
      %parallel_loop3A_261 = arith.constant 16 : i32
      %parallel_loop3A_262 = arith.addi %parallel_loop3A_256, %parallel_loop3A_261 : i32
      %parallel_loop3A_263 = arith.index_cast %parallel_loop3A_262 : i32 to index
      %parallel_loop3A_264 = tpu.vector_load %arg6[%parallel_loop3A_263] {strides = array<i32>} : memref<16384xi32, #tpu.memory_space<vmem>>, vector<16xi32>,
      %parallel_loop3A_265 = arith.constant 0 : i32
      %parallel_loop3A_266 = arith.addi %parallel_loop3A_256, %parallel_loop3A_265 : i32
      %parallel_loop3A_267 = arith.index_cast %parallel_loop3A_266 : i32 to index
      %parallel_loop3A_268 = tpu.vector_load %arg8[%parallel_loop3A_267] {strides = array<i32>} : memref<16384xf32, #tpu.memory_space<vmem>>, vector<16xf32>,
      %parallel_loop3A_269 = arith.constant 16 : i32
      %parallel_loop3A_270 = arith.addi %parallel_loop3A_256, %parallel_loop3A_269 : i32
      %parallel_loop3A_271 = arith.index_cast %parallel_loop3A_270 : i32 to index
      %parallel_loop3A_272 = tpu.vector_load %arg8[%parallel_loop3A_271] {strides = array<i32>} : memref<16384xf32, #tpu.memory_space<vmem>>, vector<16xf32>,
      %parallel_loop3A_273 = arith.constant 16 : i32
      %parallel_loop3A_274 = vector.broadcast %parallel_loop3A_273 : i32 to vector<16xi32>
      %parallel_loop3A_275 = arith.muli %parallel_loop3A_260, %parallel_loop3A_274 : vector<16xi32>
      %parallel_loop3A_276 = arith.addi %parallel_loop3A_275, %iota3A : vector<16xi32>
      %parallel_loop3A_277 = arith.constant 16 : i32
      %parallel_loop3A_278 = vector.broadcast %parallel_loop3A_277 : i32 to vector<16xi32>
      %parallel_loop3A_279 = arith.muli %parallel_loop3A_264, %parallel_loop3A_278 : vector<16xi32>
      %parallel_loop3A_280 = arith.addi %parallel_loop3A_279, %iota3A : vector<16xi32>
      tpu.vector_store_idx %arg9[%parallel_loop3A_276], %broadcast_in_dim3A_3 {add = true} : memref<16384xf32, #tpu.memory_space<vmem>>[vector<16xi32>], vector<16xf32>,
      tpu.vector_store_idx %arg9[%parallel_loop3A_280], %broadcast_in_dim3A_3 {add = true} : memref<16384xf32, #tpu.memory_space<vmem>>[vector<16xi32>], vector<16xf32>,
      tpu.vector_store_idx %arg10[%parallel_loop3A_276], %parallel_loop3A_268 {add = true} : memref<16384xf32, #tpu.memory_space<vmem>>[vector<16xi32>], vector<16xf32>,
      tpu.vector_store_idx %arg10[%parallel_loop3A_280], %parallel_loop3A_272 {add = true} : memref<16384xf32, #tpu.memory_space<vmem>>[vector<16xi32>], vector<16xf32>,
    } {sc.loop_unroll_factor = 1 : i64, sc.parallel_access}
    %add3A_45 = arith.constant 49152 : i32
    %add3A_46 = arith.addi %mul3A_2, %add3A_45 : i32
    %dma_start3A_47 = tpu.memref_slice %arg3[%add3A_46] : memref<8388608xi32, #tpu.memory_space<hbm>> -> memref<16384xi32, #tpu.memory_space<hbm>>
    %dma_start3A_48 = tpu.memref_slice %arg3[%add3A_46] : memref<8388608xi32, #tpu.memory_space<hbm>> -> memref<16384xi32, #tpu.memory_space<hbm>>
    tpu.enqueue_dma source(%dma_start3A_48 : memref<16384xi32, #tpu.memory_space<hbm>>) target(%arg6 : memref<16384xi32, #tpu.memory_space<vmem>>) target_semaphore(%arg13 : memref<!tpu.dma_semaphore, #tpu.memory_space<semaphore_mem>>)
    %add3A_49 = arith.constant 49152 : i32
    %add3A_50 = arith.addi %mul3A_2, %add3A_49 : i32
    %dma_start3A_51 = tpu.memref_slice %arg2[%add3A_50] : memref<8388608xf32, #tpu.memory_space<hbm>> -> memref<16384xf32, #tpu.memory_space<hbm>>
    %dma_start3A_52 = tpu.memref_slice %arg2[%add3A_50] : memref<8388608xf32, #tpu.memory_space<hbm>> -> memref<16384xf32, #tpu.memory_space<hbm>>
    tpu.enqueue_dma source(%dma_start3A_52 : memref<16384xf32, #tpu.memory_space<hbm>>) target(%arg8 : memref<16384xf32, #tpu.memory_space<vmem>>) target_semaphore(%arg13 : memref<!tpu.dma_semaphore, #tpu.memory_space<semaphore_mem>>)
    %dma_wait3A_53 = tpu.memref_slice %arg3[%add3A_31] : memref<8388608xi32, #tpu.memory_space<hbm>> -> memref<16384xi32, #tpu.memory_space<hbm>>
    %dma_wait3A_54 = tpu.memref_slice %arg3[%add3A_31] : memref<8388608xi32, #tpu.memory_space<hbm>> -> memref<16384xi32, #tpu.memory_space<hbm>>
    tpu.wait_dma2 semaphore(%arg12 : memref<!tpu.dma_semaphore, #tpu.memory_space<semaphore_mem>>) src(%dma_wait3A_54 : memref<16384xi32, #tpu.memory_space<hbm>>) dst(%arg5 : memref<16384xi32, #tpu.memory_space<vmem>>)
    %dma_wait3A_55 = tpu.memref_slice %arg2[%add3A_35] : memref<8388608xf32, #tpu.memory_space<hbm>> -> memref<16384xf32, #tpu.memory_space<hbm>>
    %dma_wait3A_56 = tpu.memref_slice %arg2[%add3A_35] : memref<8388608xf32, #tpu.memory_space<hbm>> -> memref<16384xf32, #tpu.memory_space<hbm>>
    tpu.wait_dma2 semaphore(%arg12 : memref<!tpu.dma_semaphore, #tpu.memory_space<semaphore_mem>>) src(%dma_wait3A_56 : memref<16384xf32, #tpu.memory_space<hbm>>) dst(%arg7 : memref<16384xf32, #tpu.memory_space<vmem>>)
    %parallel_loop3A_57 = arith.constant 0 : i32
    %parallel_loop3A_58 = arith.constant 1024 : i32
    %parallel_loop3A_59 = arith.constant 2 : i32
    scf.for %parallel_loop3A_254 = %parallel_loop3A_57 to %parallel_loop3A_58 step %parallel_loop3A_59  : i32 {
      %parallel_loop3A_255 = arith.constant 16 : i32
      %parallel_loop3A_256 = arith.muli %parallel_loop3A_254, %parallel_loop3A_255 : i32
      %parallel_loop3A_257 = arith.constant 0 : i32
      %parallel_loop3A_258 = arith.addi %parallel_loop3A_256, %parallel_loop3A_257 : i32
      %parallel_loop3A_259 = arith.index_cast %parallel_loop3A_258 : i32 to index
      %parallel_loop3A_260 = tpu.vector_load %arg5[%parallel_loop3A_259] {strides = array<i32>} : memref<16384xi32, #tpu.memory_space<vmem>>, vector<16xi32>,
      %parallel_loop3A_261 = arith.constant 16 : i32
      %parallel_loop3A_262 = arith.addi %parallel_loop3A_256, %parallel_loop3A_261 : i32
      %parallel_loop3A_263 = arith.index_cast %parallel_loop3A_262 : i32 to index
      %parallel_loop3A_264 = tpu.vector_load %arg5[%parallel_loop3A_263] {strides = array<i32>} : memref<16384xi32, #tpu.memory_space<vmem>>, vector<16xi32>,
      %parallel_loop3A_265 = arith.constant 0 : i32
      %parallel_loop3A_266 = arith.addi %parallel_loop3A_256, %parallel_loop3A_265 : i32
      %parallel_loop3A_267 = arith.index_cast %parallel_loop3A_266 : i32 to index
      %parallel_loop3A_268 = tpu.vector_load %arg7[%parallel_loop3A_267] {strides = array<i32>} : memref<16384xf32, #tpu.memory_space<vmem>>, vector<16xf32>,
      %parallel_loop3A_269 = arith.constant 16 : i32
      %parallel_loop3A_270 = arith.addi %parallel_loop3A_256, %parallel_loop3A_269 : i32
      %parallel_loop3A_271 = arith.index_cast %parallel_loop3A_270 : i32 to index
      %parallel_loop3A_272 = tpu.vector_load %arg7[%parallel_loop3A_271] {strides = array<i32>} : memref<16384xf32, #tpu.memory_space<vmem>>, vector<16xf32>,
      %parallel_loop3A_273 = arith.constant 16 : i32
      %parallel_loop3A_274 = vector.broadcast %parallel_loop3A_273 : i32 to vector<16xi32>
      %parallel_loop3A_275 = arith.muli %parallel_loop3A_260, %parallel_loop3A_274 : vector<16xi32>
      %parallel_loop3A_276 = arith.addi %parallel_loop3A_275, %iota3A : vector<16xi32>
      %parallel_loop3A_277 = arith.constant 16 : i32
      %parallel_loop3A_278 = vector.broadcast %parallel_loop3A_277 : i32 to vector<16xi32>
      %parallel_loop3A_279 = arith.muli %parallel_loop3A_264, %parallel_loop3A_278 : vector<16xi32>
      %parallel_loop3A_280 = arith.addi %parallel_loop3A_279, %iota3A : vector<16xi32>
      tpu.vector_store_idx %arg9[%parallel_loop3A_276], %broadcast_in_dim3A_3 {add = true} : memref<16384xf32, #tpu.memory_space<vmem>>[vector<16xi32>], vector<16xf32>,
      tpu.vector_store_idx %arg9[%parallel_loop3A_280], %broadcast_in_dim3A_3 {add = true} : memref<16384xf32, #tpu.memory_space<vmem>>[vector<16xi32>], vector<16xf32>,
      tpu.vector_store_idx %arg10[%parallel_loop3A_276], %parallel_loop3A_268 {add = true} : memref<16384xf32, #tpu.memory_space<vmem>>[vector<16xi32>], vector<16xf32>,
      tpu.vector_store_idx %arg10[%parallel_loop3A_280], %parallel_loop3A_272 {add = true} : memref<16384xf32, #tpu.memory_space<vmem>>[vector<16xi32>], vector<16xf32>,
    } {sc.loop_unroll_factor = 1 : i64, sc.parallel_access}
    %add3A_60 = arith.constant 65536 : i32
    %add3A_61 = arith.addi %mul3A_2, %add3A_60 : i32
    %dma_start3A_62 = tpu.memref_slice %arg3[%add3A_61] : memref<8388608xi32, #tpu.memory_space<hbm>> -> memref<16384xi32, #tpu.memory_space<hbm>>
    %dma_start3A_63 = tpu.memref_slice %arg3[%add3A_61] : memref<8388608xi32, #tpu.memory_space<hbm>> -> memref<16384xi32, #tpu.memory_space<hbm>>
    tpu.enqueue_dma source(%dma_start3A_63 : memref<16384xi32, #tpu.memory_space<hbm>>) target(%arg5 : memref<16384xi32, #tpu.memory_space<vmem>>) target_semaphore(%arg12 : memref<!tpu.dma_semaphore, #tpu.memory_space<semaphore_mem>>)
    %add3A_64 = arith.constant 65536 : i32
    %add3A_65 = arith.addi %mul3A_2, %add3A_64 : i32
    %dma_start3A_66 = tpu.memref_slice %arg2[%add3A_65] : memref<8388608xf32, #tpu.memory_space<hbm>> -> memref<16384xf32, #tpu.memory_space<hbm>>
    %dma_start3A_67 = tpu.memref_slice %arg2[%add3A_65] : memref<8388608xf32, #tpu.memory_space<hbm>> -> memref<16384xf32, #tpu.memory_space<hbm>>
    tpu.enqueue_dma source(%dma_start3A_67 : memref<16384xf32, #tpu.memory_space<hbm>>) target(%arg7 : memref<16384xf32, #tpu.memory_space<vmem>>) target_semaphore(%arg12 : memref<!tpu.dma_semaphore, #tpu.memory_space<semaphore_mem>>)
    %dma_wait3A_68 = tpu.memref_slice %arg3[%add3A_46] : memref<8388608xi32, #tpu.memory_space<hbm>> -> memref<16384xi32, #tpu.memory_space<hbm>>
    %dma_wait3A_69 = tpu.memref_slice %arg3[%add3A_46] : memref<8388608xi32, #tpu.memory_space<hbm>> -> memref<16384xi32, #tpu.memory_space<hbm>>
    tpu.wait_dma2 semaphore(%arg13 : memref<!tpu.dma_semaphore, #tpu.memory_space<semaphore_mem>>) src(%dma_wait3A_69 : memref<16384xi32, #tpu.memory_space<hbm>>) dst(%arg6 : memref<16384xi32, #tpu.memory_space<vmem>>)
    %dma_wait3A_70 = tpu.memref_slice %arg2[%add3A_50] : memref<8388608xf32, #tpu.memory_space<hbm>> -> memref<16384xf32, #tpu.memory_space<hbm>>
    %dma_wait3A_71 = tpu.memref_slice %arg2[%add3A_50] : memref<8388608xf32, #tpu.memory_space<hbm>> -> memref<16384xf32, #tpu.memory_space<hbm>>
    tpu.wait_dma2 semaphore(%arg13 : memref<!tpu.dma_semaphore, #tpu.memory_space<semaphore_mem>>) src(%dma_wait3A_71 : memref<16384xf32, #tpu.memory_space<hbm>>) dst(%arg8 : memref<16384xf32, #tpu.memory_space<vmem>>)
    %parallel_loop3A_72 = arith.constant 0 : i32
    %parallel_loop3A_73 = arith.constant 1024 : i32
    %parallel_loop3A_74 = arith.constant 2 : i32
    scf.for %parallel_loop3A_254 = %parallel_loop3A_72 to %parallel_loop3A_73 step %parallel_loop3A_74  : i32 {
      %parallel_loop3A_255 = arith.constant 16 : i32
      %parallel_loop3A_256 = arith.muli %parallel_loop3A_254, %parallel_loop3A_255 : i32
      %parallel_loop3A_257 = arith.constant 0 : i32
      %parallel_loop3A_258 = arith.addi %parallel_loop3A_256, %parallel_loop3A_257 : i32
      %parallel_loop3A_259 = arith.index_cast %parallel_loop3A_258 : i32 to index
      %parallel_loop3A_260 = tpu.vector_load %arg6[%parallel_loop3A_259] {strides = array<i32>} : memref<16384xi32, #tpu.memory_space<vmem>>, vector<16xi32>,
      %parallel_loop3A_261 = arith.constant 16 : i32
      %parallel_loop3A_262 = arith.addi %parallel_loop3A_256, %parallel_loop3A_261 : i32
      %parallel_loop3A_263 = arith.index_cast %parallel_loop3A_262 : i32 to index
      %parallel_loop3A_264 = tpu.vector_load %arg6[%parallel_loop3A_263] {strides = array<i32>} : memref<16384xi32, #tpu.memory_space<vmem>>, vector<16xi32>,
      %parallel_loop3A_265 = arith.constant 0 : i32
      %parallel_loop3A_266 = arith.addi %parallel_loop3A_256, %parallel_loop3A_265 : i32
      %parallel_loop3A_267 = arith.index_cast %parallel_loop3A_266 : i32 to index
      %parallel_loop3A_268 = tpu.vector_load %arg8[%parallel_loop3A_267] {strides = array<i32>} : memref<16384xf32, #tpu.memory_space<vmem>>, vector<16xf32>,
      %parallel_loop3A_269 = arith.constant 16 : i32
      %parallel_loop3A_270 = arith.addi %parallel_loop3A_256, %parallel_loop3A_269 : i32
      %parallel_loop3A_271 = arith.index_cast %parallel_loop3A_270 : i32 to index
      %parallel_loop3A_272 = tpu.vector_load %arg8[%parallel_loop3A_271] {strides = array<i32>} : memref<16384xf32, #tpu.memory_space<vmem>>, vector<16xf32>,
      %parallel_loop3A_273 = arith.constant 16 : i32
      %parallel_loop3A_274 = vector.broadcast %parallel_loop3A_273 : i32 to vector<16xi32>
      %parallel_loop3A_275 = arith.muli %parallel_loop3A_260, %parallel_loop3A_274 : vector<16xi32>
      %parallel_loop3A_276 = arith.addi %parallel_loop3A_275, %iota3A : vector<16xi32>
      %parallel_loop3A_277 = arith.constant 16 : i32
      %parallel_loop3A_278 = vector.broadcast %parallel_loop3A_277 : i32 to vector<16xi32>
      %parallel_loop3A_279 = arith.muli %parallel_loop3A_264, %parallel_loop3A_278 : vector<16xi32>
      %parallel_loop3A_280 = arith.addi %parallel_loop3A_279, %iota3A : vector<16xi32>
      tpu.vector_store_idx %arg9[%parallel_loop3A_276], %broadcast_in_dim3A_3 {add = true} : memref<16384xf32, #tpu.memory_space<vmem>>[vector<16xi32>], vector<16xf32>,
      tpu.vector_store_idx %arg9[%parallel_loop3A_280], %broadcast_in_dim3A_3 {add = true} : memref<16384xf32, #tpu.memory_space<vmem>>[vector<16xi32>], vector<16xf32>,
      tpu.vector_store_idx %arg10[%parallel_loop3A_276], %parallel_loop3A_268 {add = true} : memref<16384xf32, #tpu.memory_space<vmem>>[vector<16xi32>], vector<16xf32>,
      tpu.vector_store_idx %arg10[%parallel_loop3A_280], %parallel_loop3A_272 {add = true} : memref<16384xf32, #tpu.memory_space<vmem>>[vector<16xi32>], vector<16xf32>,
    } {sc.loop_unroll_factor = 1 : i64, sc.parallel_access}
    %add3A_75 = arith.constant 81920 : i32
    %add3A_76 = arith.addi %mul3A_2, %add3A_75 : i32
    %dma_start3A_77 = tpu.memref_slice %arg3[%add3A_76] : memref<8388608xi32, #tpu.memory_space<hbm>> -> memref<16384xi32, #tpu.memory_space<hbm>>
    %dma_start3A_78 = tpu.memref_slice %arg3[%add3A_76] : memref<8388608xi32, #tpu.memory_space<hbm>> -> memref<16384xi32, #tpu.memory_space<hbm>>
    tpu.enqueue_dma source(%dma_start3A_78 : memref<16384xi32, #tpu.memory_space<hbm>>) target(%arg6 : memref<16384xi32, #tpu.memory_space<vmem>>) target_semaphore(%arg13 : memref<!tpu.dma_semaphore, #tpu.memory_space<semaphore_mem>>)
    %add3A_79 = arith.constant 81920 : i32
    %add3A_80 = arith.addi %mul3A_2, %add3A_79 : i32
    %dma_start3A_81 = tpu.memref_slice %arg2[%add3A_80] : memref<8388608xf32, #tpu.memory_space<hbm>> -> memref<16384xf32, #tpu.memory_space<hbm>>
    %dma_start3A_82 = tpu.memref_slice %arg2[%add3A_80] : memref<8388608xf32, #tpu.memory_space<hbm>> -> memref<16384xf32, #tpu.memory_space<hbm>>
    tpu.enqueue_dma source(%dma_start3A_82 : memref<16384xf32, #tpu.memory_space<hbm>>) target(%arg8 : memref<16384xf32, #tpu.memory_space<vmem>>) target_semaphore(%arg13 : memref<!tpu.dma_semaphore, #tpu.memory_space<semaphore_mem>>)
    %dma_wait3A_83 = tpu.memref_slice %arg3[%add3A_61] : memref<8388608xi32, #tpu.memory_space<hbm>> -> memref<16384xi32, #tpu.memory_space<hbm>>
    %dma_wait3A_84 = tpu.memref_slice %arg3[%add3A_61] : memref<8388608xi32, #tpu.memory_space<hbm>> -> memref<16384xi32, #tpu.memory_space<hbm>>
    tpu.wait_dma2 semaphore(%arg12 : memref<!tpu.dma_semaphore, #tpu.memory_space<semaphore_mem>>) src(%dma_wait3A_84 : memref<16384xi32, #tpu.memory_space<hbm>>) dst(%arg5 : memref<16384xi32, #tpu.memory_space<vmem>>)
    %dma_wait3A_85 = tpu.memref_slice %arg2[%add3A_65] : memref<8388608xf32, #tpu.memory_space<hbm>> -> memref<16384xf32, #tpu.memory_space<hbm>>
    %dma_wait3A_86 = tpu.memref_slice %arg2[%add3A_65] : memref<8388608xf32, #tpu.memory_space<hbm>> -> memref<16384xf32, #tpu.memory_space<hbm>>
    tpu.wait_dma2 semaphore(%arg12 : memref<!tpu.dma_semaphore, #tpu.memory_space<semaphore_mem>>) src(%dma_wait3A_86 : memref<16384xf32, #tpu.memory_space<hbm>>) dst(%arg7 : memref<16384xf32, #tpu.memory_space<vmem>>)
    %parallel_loop3A_87 = arith.constant 0 : i32
    %parallel_loop3A_88 = arith.constant 1024 : i32
    %parallel_loop3A_89 = arith.constant 2 : i32
    scf.for %parallel_loop3A_254 = %parallel_loop3A_87 to %parallel_loop3A_88 step %parallel_loop3A_89  : i32 {
      %parallel_loop3A_255 = arith.constant 16 : i32
      %parallel_loop3A_256 = arith.muli %parallel_loop3A_254, %parallel_loop3A_255 : i32
      %parallel_loop3A_257 = arith.constant 0 : i32
      %parallel_loop3A_258 = arith.addi %parallel_loop3A_256, %parallel_loop3A_257 : i32
      %parallel_loop3A_259 = arith.index_cast %parallel_loop3A_258 : i32 to index
      %parallel_loop3A_260 = tpu.vector_load %arg5[%parallel_loop3A_259] {strides = array<i32>} : memref<16384xi32, #tpu.memory_space<vmem>>, vector<16xi32>,
      %parallel_loop3A_261 = arith.constant 16 : i32
      %parallel_loop3A_262 = arith.addi %parallel_loop3A_256, %parallel_loop3A_261 : i32
      %parallel_loop3A_263 = arith.index_cast %parallel_loop3A_262 : i32 to index
      %parallel_loop3A_264 = tpu.vector_load %arg5[%parallel_loop3A_263] {strides = array<i32>} : memref<16384xi32, #tpu.memory_space<vmem>>, vector<16xi32>,
      %parallel_loop3A_265 = arith.constant 0 : i32
      %parallel_loop3A_266 = arith.addi %parallel_loop3A_256, %parallel_loop3A_265 : i32
      %parallel_loop3A_267 = arith.index_cast %parallel_loop3A_266 : i32 to index
      %parallel_loop3A_268 = tpu.vector_load %arg7[%parallel_loop3A_267] {strides = array<i32>} : memref<16384xf32, #tpu.memory_space<vmem>>, vector<16xf32>,
      %parallel_loop3A_269 = arith.constant 16 : i32
      %parallel_loop3A_270 = arith.addi %parallel_loop3A_256, %parallel_loop3A_269 : i32
      %parallel_loop3A_271 = arith.index_cast %parallel_loop3A_270 : i32 to index
      %parallel_loop3A_272 = tpu.vector_load %arg7[%parallel_loop3A_271] {strides = array<i32>} : memref<16384xf32, #tpu.memory_space<vmem>>, vector<16xf32>,
      %parallel_loop3A_273 = arith.constant 16 : i32
      %parallel_loop3A_274 = vector.broadcast %parallel_loop3A_273 : i32 to vector<16xi32>
      %parallel_loop3A_275 = arith.muli %parallel_loop3A_260, %parallel_loop3A_274 : vector<16xi32>
      %parallel_loop3A_276 = arith.addi %parallel_loop3A_275, %iota3A : vector<16xi32>
      %parallel_loop3A_277 = arith.constant 16 : i32
      %parallel_loop3A_278 = vector.broadcast %parallel_loop3A_277 : i32 to vector<16xi32>
      %parallel_loop3A_279 = arith.muli %parallel_loop3A_264, %parallel_loop3A_278 : vector<16xi32>
      %parallel_loop3A_280 = arith.addi %parallel_loop3A_279, %iota3A : vector<16xi32>
      tpu.vector_store_idx %arg9[%parallel_loop3A_276], %broadcast_in_dim3A_3 {add = true} : memref<16384xf32, #tpu.memory_space<vmem>>[vector<16xi32>], vector<16xf32>,
      tpu.vector_store_idx %arg9[%parallel_loop3A_280], %broadcast_in_dim3A_3 {add = true} : memref<16384xf32, #tpu.memory_space<vmem>>[vector<16xi32>], vector<16xf32>,
      tpu.vector_store_idx %arg10[%parallel_loop3A_276], %parallel_loop3A_268 {add = true} : memref<16384xf32, #tpu.memory_space<vmem>>[vector<16xi32>], vector<16xf32>,
      tpu.vector_store_idx %arg10[%parallel_loop3A_280], %parallel_loop3A_272 {add = true} : memref<16384xf32, #tpu.memory_space<vmem>>[vector<16xi32>], vector<16xf32>,
    } {sc.loop_unroll_factor = 1 : i64, sc.parallel_access}
    %add3A_90 = arith.constant 98304 : i32
    %add3A_91 = arith.addi %mul3A_2, %add3A_90 : i32
    %dma_start3A_92 = tpu.memref_slice %arg3[%add3A_91] : memref<8388608xi32, #tpu.memory_space<hbm>> -> memref<16384xi32, #tpu.memory_space<hbm>>
    %dma_start3A_93 = tpu.memref_slice %arg3[%add3A_91] : memref<8388608xi32, #tpu.memory_space<hbm>> -> memref<16384xi32, #tpu.memory_space<hbm>>
    tpu.enqueue_dma source(%dma_start3A_93 : memref<16384xi32, #tpu.memory_space<hbm>>) target(%arg5 : memref<16384xi32, #tpu.memory_space<vmem>>) target_semaphore(%arg12 : memref<!tpu.dma_semaphore, #tpu.memory_space<semaphore_mem>>)
    %add3A_94 = arith.constant 98304 : i32
    %add3A_95 = arith.addi %mul3A_2, %add3A_94 : i32
    %dma_start3A_96 = tpu.memref_slice %arg2[%add3A_95] : memref<8388608xf32, #tpu.memory_space<hbm>> -> memref<16384xf32, #tpu.memory_space<hbm>>
    %dma_start3A_97 = tpu.memref_slice %arg2[%add3A_95] : memref<8388608xf32, #tpu.memory_space<hbm>> -> memref<16384xf32, #tpu.memory_space<hbm>>
    tpu.enqueue_dma source(%dma_start3A_97 : memref<16384xf32, #tpu.memory_space<hbm>>) target(%arg7 : memref<16384xf32, #tpu.memory_space<vmem>>) target_semaphore(%arg12 : memref<!tpu.dma_semaphore, #tpu.memory_space<semaphore_mem>>)
    %dma_wait3A_98 = tpu.memref_slice %arg3[%add3A_76] : memref<8388608xi32, #tpu.memory_space<hbm>> -> memref<16384xi32, #tpu.memory_space<hbm>>
    %dma_wait3A_99 = tpu.memref_slice %arg3[%add3A_76] : memref<8388608xi32, #tpu.memory_space<hbm>> -> memref<16384xi32, #tpu.memory_space<hbm>>
    tpu.wait_dma2 semaphore(%arg13 : memref<!tpu.dma_semaphore, #tpu.memory_space<semaphore_mem>>) src(%dma_wait3A_99 : memref<16384xi32, #tpu.memory_space<hbm>>) dst(%arg6 : memref<16384xi32, #tpu.memory_space<vmem>>)
    %dma_wait3A_100 = tpu.memref_slice %arg2[%add3A_80] : memref<8388608xf32, #tpu.memory_space<hbm>> -> memref<16384xf32, #tpu.memory_space<hbm>>
    %dma_wait3A_101 = tpu.memref_slice %arg2[%add3A_80] : memref<8388608xf32, #tpu.memory_space<hbm>> -> memref<16384xf32, #tpu.memory_space<hbm>>
    tpu.wait_dma2 semaphore(%arg13 : memref<!tpu.dma_semaphore, #tpu.memory_space<semaphore_mem>>) src(%dma_wait3A_101 : memref<16384xf32, #tpu.memory_space<hbm>>) dst(%arg8 : memref<16384xf32, #tpu.memory_space<vmem>>)
    %parallel_loop3A_102 = arith.constant 0 : i32
    %parallel_loop3A_103 = arith.constant 1024 : i32
    %parallel_loop3A_104 = arith.constant 2 : i32
    scf.for %parallel_loop3A_254 = %parallel_loop3A_102 to %parallel_loop3A_103 step %parallel_loop3A_104  : i32 {
      %parallel_loop3A_255 = arith.constant 16 : i32
      %parallel_loop3A_256 = arith.muli %parallel_loop3A_254, %parallel_loop3A_255 : i32
      %parallel_loop3A_257 = arith.constant 0 : i32
      %parallel_loop3A_258 = arith.addi %parallel_loop3A_256, %parallel_loop3A_257 : i32
      %parallel_loop3A_259 = arith.index_cast %parallel_loop3A_258 : i32 to index
      %parallel_loop3A_260 = tpu.vector_load %arg6[%parallel_loop3A_259] {strides = array<i32>} : memref<16384xi32, #tpu.memory_space<vmem>>, vector<16xi32>,
      %parallel_loop3A_261 = arith.constant 16 : i32
      %parallel_loop3A_262 = arith.addi %parallel_loop3A_256, %parallel_loop3A_261 : i32
      %parallel_loop3A_263 = arith.index_cast %parallel_loop3A_262 : i32 to index
      %parallel_loop3A_264 = tpu.vector_load %arg6[%parallel_loop3A_263] {strides = array<i32>} : memref<16384xi32, #tpu.memory_space<vmem>>, vector<16xi32>,
      %parallel_loop3A_265 = arith.constant 0 : i32
      %parallel_loop3A_266 = arith.addi %parallel_loop3A_256, %parallel_loop3A_265 : i32
      %parallel_loop3A_267 = arith.index_cast %parallel_loop3A_266 : i32 to index
      %parallel_loop3A_268 = tpu.vector_load %arg8[%parallel_loop3A_267] {strides = array<i32>} : memref<16384xf32, #tpu.memory_space<vmem>>, vector<16xf32>,
      %parallel_loop3A_269 = arith.constant 16 : i32
      %parallel_loop3A_270 = arith.addi %parallel_loop3A_256, %parallel_loop3A_269 : i32
      %parallel_loop3A_271 = arith.index_cast %parallel_loop3A_270 : i32 to index
      %parallel_loop3A_272 = tpu.vector_load %arg8[%parallel_loop3A_271] {strides = array<i32>} : memref<16384xf32, #tpu.memory_space<vmem>>, vector<16xf32>,
      %parallel_loop3A_273 = arith.constant 16 : i32
      %parallel_loop3A_274 = vector.broadcast %parallel_loop3A_273 : i32 to vector<16xi32>
      %parallel_loop3A_275 = arith.muli %parallel_loop3A_260, %parallel_loop3A_274 : vector<16xi32>
      %parallel_loop3A_276 = arith.addi %parallel_loop3A_275, %iota3A : vector<16xi32>
      %parallel_loop3A_277 = arith.constant 16 : i32
      %parallel_loop3A_278 = vector.broadcast %parallel_loop3A_277 : i32 to vector<16xi32>
      %parallel_loop3A_279 = arith.muli %parallel_loop3A_264, %parallel_loop3A_278 : vector<16xi32>
      %parallel_loop3A_280 = arith.addi %parallel_loop3A_279, %iota3A : vector<16xi32>
      tpu.vector_store_idx %arg9[%parallel_loop3A_276], %broadcast_in_dim3A_3 {add = true} : memref<16384xf32, #tpu.memory_space<vmem>>[vector<16xi32>], vector<16xf32>,
      tpu.vector_store_idx %arg9[%parallel_loop3A_280], %broadcast_in_dim3A_3 {add = true} : memref<16384xf32, #tpu.memory_space<vmem>>[vector<16xi32>], vector<16xf32>,
      tpu.vector_store_idx %arg10[%parallel_loop3A_276], %parallel_loop3A_268 {add = true} : memref<16384xf32, #tpu.memory_space<vmem>>[vector<16xi32>], vector<16xf32>,
      tpu.vector_store_idx %arg10[%parallel_loop3A_280], %parallel_loop3A_272 {add = true} : memref<16384xf32, #tpu.memory_space<vmem>>[vector<16xi32>], vector<16xf32>,
    } {sc.loop_unroll_factor = 1 : i64, sc.parallel_access}
    %add3A_105 = arith.constant 114688 : i32
    %add3A_106 = arith.addi %mul3A_2, %add3A_105 : i32
    %dma_start3A_107 = tpu.memref_slice %arg3[%add3A_106] : memref<8388608xi32, #tpu.memory_space<hbm>> -> memref<16384xi32, #tpu.memory_space<hbm>>
    %dma_start3A_108 = tpu.memref_slice %arg3[%add3A_106] : memref<8388608xi32, #tpu.memory_space<hbm>> -> memref<16384xi32, #tpu.memory_space<hbm>>
    tpu.enqueue_dma source(%dma_start3A_108 : memref<16384xi32, #tpu.memory_space<hbm>>) target(%arg6 : memref<16384xi32, #tpu.memory_space<vmem>>) target_semaphore(%arg13 : memref<!tpu.dma_semaphore, #tpu.memory_space<semaphore_mem>>)
    %add3A_109 = arith.constant 114688 : i32
    %add3A_110 = arith.addi %mul3A_2, %add3A_109 : i32
    %dma_start3A_111 = tpu.memref_slice %arg2[%add3A_110] : memref<8388608xf32, #tpu.memory_space<hbm>> -> memref<16384xf32, #tpu.memory_space<hbm>>
    %dma_start3A_112 = tpu.memref_slice %arg2[%add3A_110] : memref<8388608xf32, #tpu.memory_space<hbm>> -> memref<16384xf32, #tpu.memory_space<hbm>>
    tpu.enqueue_dma source(%dma_start3A_112 : memref<16384xf32, #tpu.memory_space<hbm>>) target(%arg8 : memref<16384xf32, #tpu.memory_space<vmem>>) target_semaphore(%arg13 : memref<!tpu.dma_semaphore, #tpu.memory_space<semaphore_mem>>)
    %dma_wait3A_113 = tpu.memref_slice %arg3[%add3A_91] : memref<8388608xi32, #tpu.memory_space<hbm>> -> memref<16384xi32, #tpu.memory_space<hbm>>
    %dma_wait3A_114 = tpu.memref_slice %arg3[%add3A_91] : memref<8388608xi32, #tpu.memory_space<hbm>> -> memref<16384xi32, #tpu.memory_space<hbm>>
    tpu.wait_dma2 semaphore(%arg12 : memref<!tpu.dma_semaphore, #tpu.memory_space<semaphore_mem>>) src(%dma_wait3A_114 : memref<16384xi32, #tpu.memory_space<hbm>>) dst(%arg5 : memref<16384xi32, #tpu.memory_space<vmem>>)
    %dma_wait3A_115 = tpu.memref_slice %arg2[%add3A_95] : memref<8388608xf32, #tpu.memory_space<hbm>> -> memref<16384xf32, #tpu.memory_space<hbm>>
    %dma_wait3A_116 = tpu.memref_slice %arg2[%add3A_95] : memref<8388608xf32, #tpu.memory_space<hbm>> -> memref<16384xf32, #tpu.memory_space<hbm>>
    tpu.wait_dma2 semaphore(%arg12 : memref<!tpu.dma_semaphore, #tpu.memory_space<semaphore_mem>>) src(%dma_wait3A_116 : memref<16384xf32, #tpu.memory_space<hbm>>) dst(%arg7 : memref<16384xf32, #tpu.memory_space<vmem>>)
    %parallel_loop3A_117 = arith.constant 0 : i32
    %parallel_loop3A_118 = arith.constant 1024 : i32
    %parallel_loop3A_119 = arith.constant 2 : i32
    scf.for %parallel_loop3A_254 = %parallel_loop3A_117 to %parallel_loop3A_118 step %parallel_loop3A_119  : i32 {
      %parallel_loop3A_255 = arith.constant 16 : i32
      %parallel_loop3A_256 = arith.muli %parallel_loop3A_254, %parallel_loop3A_255 : i32
      %parallel_loop3A_257 = arith.constant 0 : i32
      %parallel_loop3A_258 = arith.addi %parallel_loop3A_256, %parallel_loop3A_257 : i32
      %parallel_loop3A_259 = arith.index_cast %parallel_loop3A_258 : i32 to index
      %parallel_loop3A_260 = tpu.vector_load %arg5[%parallel_loop3A_259] {strides = array<i32>} : memref<16384xi32, #tpu.memory_space<vmem>>, vector<16xi32>,
      %parallel_loop3A_261 = arith.constant 16 : i32
      %parallel_loop3A_262 = arith.addi %parallel_loop3A_256, %parallel_loop3A_261 : i32
      %parallel_loop3A_263 = arith.index_cast %parallel_loop3A_262 : i32 to index
      %parallel_loop3A_264 = tpu.vector_load %arg5[%parallel_loop3A_263] {strides = array<i32>} : memref<16384xi32, #tpu.memory_space<vmem>>, vector<16xi32>,
      %parallel_loop3A_265 = arith.constant 0 : i32
      %parallel_loop3A_266 = arith.addi %parallel_loop3A_256, %parallel_loop3A_265 : i32
      %parallel_loop3A_267 = arith.index_cast %parallel_loop3A_266 : i32 to index
      %parallel_loop3A_268 = tpu.vector_load %arg7[%parallel_loop3A_267] {strides = array<i32>} : memref<16384xf32, #tpu.memory_space<vmem>>, vector<16xf32>,
      %parallel_loop3A_269 = arith.constant 16 : i32
      %parallel_loop3A_270 = arith.addi %parallel_loop3A_256, %parallel_loop3A_269 : i32
      %parallel_loop3A_271 = arith.index_cast %parallel_loop3A_270 : i32 to index
      %parallel_loop3A_272 = tpu.vector_load %arg7[%parallel_loop3A_271] {strides = array<i32>} : memref<16384xf32, #tpu.memory_space<vmem>>, vector<16xf32>,
      %parallel_loop3A_273 = arith.constant 16 : i32
      %parallel_loop3A_274 = vector.broadcast %parallel_loop3A_273 : i32 to vector<16xi32>
      %parallel_loop3A_275 = arith.muli %parallel_loop3A_260, %parallel_loop3A_274 : vector<16xi32>
      %parallel_loop3A_276 = arith.addi %parallel_loop3A_275, %iota3A : vector<16xi32>
      %parallel_loop3A_277 = arith.constant 16 : i32
      %parallel_loop3A_278 = vector.broadcast %parallel_loop3A_277 : i32 to vector<16xi32>
      %parallel_loop3A_279 = arith.muli %parallel_loop3A_264, %parallel_loop3A_278 : vector<16xi32>
      %parallel_loop3A_280 = arith.addi %parallel_loop3A_279, %iota3A : vector<16xi32>
      tpu.vector_store_idx %arg9[%parallel_loop3A_276], %broadcast_in_dim3A_3 {add = true} : memref<16384xf32, #tpu.memory_space<vmem>>[vector<16xi32>], vector<16xf32>,
      tpu.vector_store_idx %arg9[%parallel_loop3A_280], %broadcast_in_dim3A_3 {add = true} : memref<16384xf32, #tpu.memory_space<vmem>>[vector<16xi32>], vector<16xf32>,
      tpu.vector_store_idx %arg10[%parallel_loop3A_276], %parallel_loop3A_268 {add = true} : memref<16384xf32, #tpu.memory_space<vmem>>[vector<16xi32>], vector<16xf32>,
      tpu.vector_store_idx %arg10[%parallel_loop3A_280], %parallel_loop3A_272 {add = true} : memref<16384xf32, #tpu.memory_space<vmem>>[vector<16xi32>], vector<16xf32>,
    } {sc.loop_unroll_factor = 1 : i64, sc.parallel_access}
    %add3A_120 = arith.constant 131072 : i32
    %add3A_121 = arith.addi %mul3A_2, %add3A_120 : i32
    %dma_start3A_122 = tpu.memref_slice %arg3[%add3A_121] : memref<8388608xi32, #tpu.memory_space<hbm>> -> memref<16384xi32, #tpu.memory_space<hbm>>
    %dma_start3A_123 = tpu.memref_slice %arg3[%add3A_121] : memref<8388608xi32, #tpu.memory_space<hbm>> -> memref<16384xi32, #tpu.memory_space<hbm>>
    tpu.enqueue_dma source(%dma_start3A_123 : memref<16384xi32, #tpu.memory_space<hbm>>) target(%arg5 : memref<16384xi32, #tpu.memory_space<vmem>>) target_semaphore(%arg12 : memref<!tpu.dma_semaphore, #tpu.memory_space<semaphore_mem>>)
    %add3A_124 = arith.constant 131072 : i32
    %add3A_125 = arith.addi %mul3A_2, %add3A_124 : i32
    %dma_start3A_126 = tpu.memref_slice %arg2[%add3A_125] : memref<8388608xf32, #tpu.memory_space<hbm>> -> memref<16384xf32, #tpu.memory_space<hbm>>
    %dma_start3A_127 = tpu.memref_slice %arg2[%add3A_125] : memref<8388608xf32, #tpu.memory_space<hbm>> -> memref<16384xf32, #tpu.memory_space<hbm>>
    tpu.enqueue_dma source(%dma_start3A_127 : memref<16384xf32, #tpu.memory_space<hbm>>) target(%arg7 : memref<16384xf32, #tpu.memory_space<vmem>>) target_semaphore(%arg12 : memref<!tpu.dma_semaphore, #tpu.memory_space<semaphore_mem>>)
    %dma_wait3A_128 = tpu.memref_slice %arg3[%add3A_106] : memref<8388608xi32, #tpu.memory_space<hbm>> -> memref<16384xi32, #tpu.memory_space<hbm>>
    %dma_wait3A_129 = tpu.memref_slice %arg3[%add3A_106] : memref<8388608xi32, #tpu.memory_space<hbm>> -> memref<16384xi32, #tpu.memory_space<hbm>>
    tpu.wait_dma2 semaphore(%arg13 : memref<!tpu.dma_semaphore, #tpu.memory_space<semaphore_mem>>) src(%dma_wait3A_129 : memref<16384xi32, #tpu.memory_space<hbm>>) dst(%arg6 : memref<16384xi32, #tpu.memory_space<vmem>>)
    %dma_wait3A_130 = tpu.memref_slice %arg2[%add3A_110] : memref<8388608xf32, #tpu.memory_space<hbm>> -> memref<16384xf32, #tpu.memory_space<hbm>>
    %dma_wait3A_131 = tpu.memref_slice %arg2[%add3A_110] : memref<8388608xf32, #tpu.memory_space<hbm>> -> memref<16384xf32, #tpu.memory_space<hbm>>
    tpu.wait_dma2 semaphore(%arg13 : memref<!tpu.dma_semaphore, #tpu.memory_space<semaphore_mem>>) src(%dma_wait3A_131 : memref<16384xf32, #tpu.memory_space<hbm>>) dst(%arg8 : memref<16384xf32, #tpu.memory_space<vmem>>)
    %parallel_loop3A_132 = arith.constant 0 : i32
    %parallel_loop3A_133 = arith.constant 1024 : i32
    %parallel_loop3A_134 = arith.constant 2 : i32
    scf.for %parallel_loop3A_254 = %parallel_loop3A_132 to %parallel_loop3A_133 step %parallel_loop3A_134  : i32 {
      %parallel_loop3A_255 = arith.constant 16 : i32
      %parallel_loop3A_256 = arith.muli %parallel_loop3A_254, %parallel_loop3A_255 : i32
      %parallel_loop3A_257 = arith.constant 0 : i32
      %parallel_loop3A_258 = arith.addi %parallel_loop3A_256, %parallel_loop3A_257 : i32
      %parallel_loop3A_259 = arith.index_cast %parallel_loop3A_258 : i32 to index
      %parallel_loop3A_260 = tpu.vector_load %arg6[%parallel_loop3A_259] {strides = array<i32>} : memref<16384xi32, #tpu.memory_space<vmem>>, vector<16xi32>,
      %parallel_loop3A_261 = arith.constant 16 : i32
      %parallel_loop3A_262 = arith.addi %parallel_loop3A_256, %parallel_loop3A_261 : i32
      %parallel_loop3A_263 = arith.index_cast %parallel_loop3A_262 : i32 to index
      %parallel_loop3A_264 = tpu.vector_load %arg6[%parallel_loop3A_263] {strides = array<i32>} : memref<16384xi32, #tpu.memory_space<vmem>>, vector<16xi32>,
      %parallel_loop3A_265 = arith.constant 0 : i32
      %parallel_loop3A_266 = arith.addi %parallel_loop3A_256, %parallel_loop3A_265 : i32
      %parallel_loop3A_267 = arith.index_cast %parallel_loop3A_266 : i32 to index
      %parallel_loop3A_268 = tpu.vector_load %arg8[%parallel_loop3A_267] {strides = array<i32>} : memref<16384xf32, #tpu.memory_space<vmem>>, vector<16xf32>,
      %parallel_loop3A_269 = arith.constant 16 : i32
      %parallel_loop3A_270 = arith.addi %parallel_loop3A_256, %parallel_loop3A_269 : i32
      %parallel_loop3A_271 = arith.index_cast %parallel_loop3A_270 : i32 to index
      %parallel_loop3A_272 = tpu.vector_load %arg8[%parallel_loop3A_271] {strides = array<i32>} : memref<16384xf32, #tpu.memory_space<vmem>>, vector<16xf32>,
      %parallel_loop3A_273 = arith.constant 16 : i32
      %parallel_loop3A_274 = vector.broadcast %parallel_loop3A_273 : i32 to vector<16xi32>
      %parallel_loop3A_275 = arith.muli %parallel_loop3A_260, %parallel_loop3A_274 : vector<16xi32>
      %parallel_loop3A_276 = arith.addi %parallel_loop3A_275, %iota3A : vector<16xi32>
      %parallel_loop3A_277 = arith.constant 16 : i32
      %parallel_loop3A_278 = vector.broadcast %parallel_loop3A_277 : i32 to vector<16xi32>
      %parallel_loop3A_279 = arith.muli %parallel_loop3A_264, %parallel_loop3A_278 : vector<16xi32>
      %parallel_loop3A_280 = arith.addi %parallel_loop3A_279, %iota3A : vector<16xi32>
      tpu.vector_store_idx %arg9[%parallel_loop3A_276], %broadcast_in_dim3A_3 {add = true} : memref<16384xf32, #tpu.memory_space<vmem>>[vector<16xi32>], vector<16xf32>,
      tpu.vector_store_idx %arg9[%parallel_loop3A_280], %broadcast_in_dim3A_3 {add = true} : memref<16384xf32, #tpu.memory_space<vmem>>[vector<16xi32>], vector<16xf32>,
      tpu.vector_store_idx %arg10[%parallel_loop3A_276], %parallel_loop3A_268 {add = true} : memref<16384xf32, #tpu.memory_space<vmem>>[vector<16xi32>], vector<16xf32>,
      tpu.vector_store_idx %arg10[%parallel_loop3A_280], %parallel_loop3A_272 {add = true} : memref<16384xf32, #tpu.memory_space<vmem>>[vector<16xi32>], vector<16xf32>,
    } {sc.loop_unroll_factor = 1 : i64, sc.parallel_access}
    %add3A_135 = arith.constant 147456 : i32
    %add3A_136 = arith.addi %mul3A_2, %add3A_135 : i32
    %dma_start3A_137 = tpu.memref_slice %arg3[%add3A_136] : memref<8388608xi32, #tpu.memory_space<hbm>> -> memref<16384xi32, #tpu.memory_space<hbm>>
    %dma_start3A_138 = tpu.memref_slice %arg3[%add3A_136] : memref<8388608xi32, #tpu.memory_space<hbm>> -> memref<16384xi32, #tpu.memory_space<hbm>>
    tpu.enqueue_dma source(%dma_start3A_138 : memref<16384xi32, #tpu.memory_space<hbm>>) target(%arg6 : memref<16384xi32, #tpu.memory_space<vmem>>) target_semaphore(%arg13 : memref<!tpu.dma_semaphore, #tpu.memory_space<semaphore_mem>>)
    %add3A_139 = arith.constant 147456 : i32
    %add3A_140 = arith.addi %mul3A_2, %add3A_139 : i32
    %dma_start3A_141 = tpu.memref_slice %arg2[%add3A_140] : memref<8388608xf32, #tpu.memory_space<hbm>> -> memref<16384xf32, #tpu.memory_space<hbm>>
    %dma_start3A_142 = tpu.memref_slice %arg2[%add3A_140] : memref<8388608xf32, #tpu.memory_space<hbm>> -> memref<16384xf32, #tpu.memory_space<hbm>>
    tpu.enqueue_dma source(%dma_start3A_142 : memref<16384xf32, #tpu.memory_space<hbm>>) target(%arg8 : memref<16384xf32, #tpu.memory_space<vmem>>) target_semaphore(%arg13 : memref<!tpu.dma_semaphore, #tpu.memory_space<semaphore_mem>>)
    %dma_wait3A_143 = tpu.memref_slice %arg3[%add3A_121] : memref<8388608xi32, #tpu.memory_space<hbm>> -> memref<16384xi32, #tpu.memory_space<hbm>>
    %dma_wait3A_144 = tpu.memref_slice %arg3[%add3A_121] : memref<8388608xi32, #tpu.memory_space<hbm>> -> memref<16384xi32, #tpu.memory_space<hbm>>
    tpu.wait_dma2 semaphore(%arg12 : memref<!tpu.dma_semaphore, #tpu.memory_space<semaphore_mem>>) src(%dma_wait3A_144 : memref<16384xi32, #tpu.memory_space<hbm>>) dst(%arg5 : memref<16384xi32, #tpu.memory_space<vmem>>)
    %dma_wait3A_145 = tpu.memref_slice %arg2[%add3A_125] : memref<8388608xf32, #tpu.memory_space<hbm>> -> memref<16384xf32, #tpu.memory_space<hbm>>
    %dma_wait3A_146 = tpu.memref_slice %arg2[%add3A_125] : memref<8388608xf32, #tpu.memory_space<hbm>> -> memref<16384xf32, #tpu.memory_space<hbm>>
    tpu.wait_dma2 semaphore(%arg12 : memref<!tpu.dma_semaphore, #tpu.memory_space<semaphore_mem>>) src(%dma_wait3A_146 : memref<16384xf32, #tpu.memory_space<hbm>>) dst(%arg7 : memref<16384xf32, #tpu.memory_space<vmem>>)
    %parallel_loop3A_147 = arith.constant 0 : i32
    %parallel_loop3A_148 = arith.constant 1024 : i32
    %parallel_loop3A_149 = arith.constant 2 : i32
    scf.for %parallel_loop3A_254 = %parallel_loop3A_147 to %parallel_loop3A_148 step %parallel_loop3A_149  : i32 {
      %parallel_loop3A_255 = arith.constant 16 : i32
      %parallel_loop3A_256 = arith.muli %parallel_loop3A_254, %parallel_loop3A_255 : i32
      %parallel_loop3A_257 = arith.constant 0 : i32
      %parallel_loop3A_258 = arith.addi %parallel_loop3A_256, %parallel_loop3A_257 : i32
      %parallel_loop3A_259 = arith.index_cast %parallel_loop3A_258 : i32 to index
      %parallel_loop3A_260 = tpu.vector_load %arg5[%parallel_loop3A_259] {strides = array<i32>} : memref<16384xi32, #tpu.memory_space<vmem>>, vector<16xi32>,
      %parallel_loop3A_261 = arith.constant 16 : i32
      %parallel_loop3A_262 = arith.addi %parallel_loop3A_256, %parallel_loop3A_261 : i32
      %parallel_loop3A_263 = arith.index_cast %parallel_loop3A_262 : i32 to index
      %parallel_loop3A_264 = tpu.vector_load %arg5[%parallel_loop3A_263] {strides = array<i32>} : memref<16384xi32, #tpu.memory_space<vmem>>, vector<16xi32>,
      %parallel_loop3A_265 = arith.constant 0 : i32
      %parallel_loop3A_266 = arith.addi %parallel_loop3A_256, %parallel_loop3A_265 : i32
      %parallel_loop3A_267 = arith.index_cast %parallel_loop3A_266 : i32 to index
      %parallel_loop3A_268 = tpu.vector_load %arg7[%parallel_loop3A_267] {strides = array<i32>} : memref<16384xf32, #tpu.memory_space<vmem>>, vector<16xf32>,
      %parallel_loop3A_269 = arith.constant 16 : i32
      %parallel_loop3A_270 = arith.addi %parallel_loop3A_256, %parallel_loop3A_269 : i32
      %parallel_loop3A_271 = arith.index_cast %parallel_loop3A_270 : i32 to index
      %parallel_loop3A_272 = tpu.vector_load %arg7[%parallel_loop3A_271] {strides = array<i32>} : memref<16384xf32, #tpu.memory_space<vmem>>, vector<16xf32>,
      %parallel_loop3A_273 = arith.constant 16 : i32
      %parallel_loop3A_274 = vector.broadcast %parallel_loop3A_273 : i32 to vector<16xi32>
      %parallel_loop3A_275 = arith.muli %parallel_loop3A_260, %parallel_loop3A_274 : vector<16xi32>
      %parallel_loop3A_276 = arith.addi %parallel_loop3A_275, %iota3A : vector<16xi32>
      %parallel_loop3A_277 = arith.constant 16 : i32
      %parallel_loop3A_278 = vector.broadcast %parallel_loop3A_277 : i32 to vector<16xi32>
      %parallel_loop3A_279 = arith.muli %parallel_loop3A_264, %parallel_loop3A_278 : vector<16xi32>
      %parallel_loop3A_280 = arith.addi %parallel_loop3A_279, %iota3A : vector<16xi32>
      tpu.vector_store_idx %arg9[%parallel_loop3A_276], %broadcast_in_dim3A_3 {add = true} : memref<16384xf32, #tpu.memory_space<vmem>>[vector<16xi32>], vector<16xf32>,
      tpu.vector_store_idx %arg9[%parallel_loop3A_280], %broadcast_in_dim3A_3 {add = true} : memref<16384xf32, #tpu.memory_space<vmem>>[vector<16xi32>], vector<16xf32>,
      tpu.vector_store_idx %arg10[%parallel_loop3A_276], %parallel_loop3A_268 {add = true} : memref<16384xf32, #tpu.memory_space<vmem>>[vector<16xi32>], vector<16xf32>,
      tpu.vector_store_idx %arg10[%parallel_loop3A_280], %parallel_loop3A_272 {add = true} : memref<16384xf32, #tpu.memory_space<vmem>>[vector<16xi32>], vector<16xf32>,
    } {sc.loop_unroll_factor = 1 : i64, sc.parallel_access}
    %add3A_150 = arith.constant 163840 : i32
    %add3A_151 = arith.addi %mul3A_2, %add3A_150 : i32
    %dma_start3A_152 = tpu.memref_slice %arg3[%add3A_151] : memref<8388608xi32, #tpu.memory_space<hbm>> -> memref<16384xi32, #tpu.memory_space<hbm>>
    %dma_start3A_153 = tpu.memref_slice %arg3[%add3A_151] : memref<8388608xi32, #tpu.memory_space<hbm>> -> memref<16384xi32, #tpu.memory_space<hbm>>
    tpu.enqueue_dma source(%dma_start3A_153 : memref<16384xi32, #tpu.memory_space<hbm>>) target(%arg5 : memref<16384xi32, #tpu.memory_space<vmem>>) target_semaphore(%arg12 : memref<!tpu.dma_semaphore, #tpu.memory_space<semaphore_mem>>)
    %add3A_154 = arith.constant 163840 : i32
    %add3A_155 = arith.addi %mul3A_2, %add3A_154 : i32
    %dma_start3A_156 = tpu.memref_slice %arg2[%add3A_155] : memref<8388608xf32, #tpu.memory_space<hbm>> -> memref<16384xf32, #tpu.memory_space<hbm>>
    %dma_start3A_157 = tpu.memref_slice %arg2[%add3A_155] : memref<8388608xf32, #tpu.memory_space<hbm>> -> memref<16384xf32, #tpu.memory_space<hbm>>
    tpu.enqueue_dma source(%dma_start3A_157 : memref<16384xf32, #tpu.memory_space<hbm>>) target(%arg7 : memref<16384xf32, #tpu.memory_space<vmem>>) target_semaphore(%arg12 : memref<!tpu.dma_semaphore, #tpu.memory_space<semaphore_mem>>)
    %dma_wait3A_158 = tpu.memref_slice %arg3[%add3A_136] : memref<8388608xi32, #tpu.memory_space<hbm>> -> memref<16384xi32, #tpu.memory_space<hbm>>
    %dma_wait3A_159 = tpu.memref_slice %arg3[%add3A_136] : memref<8388608xi32, #tpu.memory_space<hbm>> -> memref<16384xi32, #tpu.memory_space<hbm>>
    tpu.wait_dma2 semaphore(%arg13 : memref<!tpu.dma_semaphore, #tpu.memory_space<semaphore_mem>>) src(%dma_wait3A_159 : memref<16384xi32, #tpu.memory_space<hbm>>) dst(%arg6 : memref<16384xi32, #tpu.memory_space<vmem>>)
    %dma_wait3A_160 = tpu.memref_slice %arg2[%add3A_140] : memref<8388608xf32, #tpu.memory_space<hbm>> -> memref<16384xf32, #tpu.memory_space<hbm>>
    %dma_wait3A_161 = tpu.memref_slice %arg2[%add3A_140] : memref<8388608xf32, #tpu.memory_space<hbm>> -> memref<16384xf32, #tpu.memory_space<hbm>>
    tpu.wait_dma2 semaphore(%arg13 : memref<!tpu.dma_semaphore, #tpu.memory_space<semaphore_mem>>) src(%dma_wait3A_161 : memref<16384xf32, #tpu.memory_space<hbm>>) dst(%arg8 : memref<16384xf32, #tpu.memory_space<vmem>>)
    %parallel_loop3A_162 = arith.constant 0 : i32
    %parallel_loop3A_163 = arith.constant 1024 : i32
    %parallel_loop3A_164 = arith.constant 2 : i32
    scf.for %parallel_loop3A_254 = %parallel_loop3A_162 to %parallel_loop3A_163 step %parallel_loop3A_164  : i32 {
      %parallel_loop3A_255 = arith.constant 16 : i32
      %parallel_loop3A_256 = arith.muli %parallel_loop3A_254, %parallel_loop3A_255 : i32
      %parallel_loop3A_257 = arith.constant 0 : i32
      %parallel_loop3A_258 = arith.addi %parallel_loop3A_256, %parallel_loop3A_257 : i32
      %parallel_loop3A_259 = arith.index_cast %parallel_loop3A_258 : i32 to index
      %parallel_loop3A_260 = tpu.vector_load %arg6[%parallel_loop3A_259] {strides = array<i32>} : memref<16384xi32, #tpu.memory_space<vmem>>, vector<16xi32>,
      %parallel_loop3A_261 = arith.constant 16 : i32
      %parallel_loop3A_262 = arith.addi %parallel_loop3A_256, %parallel_loop3A_261 : i32
      %parallel_loop3A_263 = arith.index_cast %parallel_loop3A_262 : i32 to index
      %parallel_loop3A_264 = tpu.vector_load %arg6[%parallel_loop3A_263] {strides = array<i32>} : memref<16384xi32, #tpu.memory_space<vmem>>, vector<16xi32>,
      %parallel_loop3A_265 = arith.constant 0 : i32
      %parallel_loop3A_266 = arith.addi %parallel_loop3A_256, %parallel_loop3A_265 : i32
      %parallel_loop3A_267 = arith.index_cast %parallel_loop3A_266 : i32 to index
      %parallel_loop3A_268 = tpu.vector_load %arg8[%parallel_loop3A_267] {strides = array<i32>} : memref<16384xf32, #tpu.memory_space<vmem>>, vector<16xf32>,
      %parallel_loop3A_269 = arith.constant 16 : i32
      %parallel_loop3A_270 = arith.addi %parallel_loop3A_256, %parallel_loop3A_269 : i32
      %parallel_loop3A_271 = arith.index_cast %parallel_loop3A_270 : i32 to index
      %parallel_loop3A_272 = tpu.vector_load %arg8[%parallel_loop3A_271] {strides = array<i32>} : memref<16384xf32, #tpu.memory_space<vmem>>, vector<16xf32>,
      %parallel_loop3A_273 = arith.constant 16 : i32
      %parallel_loop3A_274 = vector.broadcast %parallel_loop3A_273 : i32 to vector<16xi32>
      %parallel_loop3A_275 = arith.muli %parallel_loop3A_260, %parallel_loop3A_274 : vector<16xi32>
      %parallel_loop3A_276 = arith.addi %parallel_loop3A_275, %iota3A : vector<16xi32>
      %parallel_loop3A_277 = arith.constant 16 : i32
      %parallel_loop3A_278 = vector.broadcast %parallel_loop3A_277 : i32 to vector<16xi32>
      %parallel_loop3A_279 = arith.muli %parallel_loop3A_264, %parallel_loop3A_278 : vector<16xi32>
      %parallel_loop3A_280 = arith.addi %parallel_loop3A_279, %iota3A : vector<16xi32>
      tpu.vector_store_idx %arg9[%parallel_loop3A_276], %broadcast_in_dim3A_3 {add = true} : memref<16384xf32, #tpu.memory_space<vmem>>[vector<16xi32>], vector<16xf32>,
      tpu.vector_store_idx %arg9[%parallel_loop3A_280], %broadcast_in_dim3A_3 {add = true} : memref<16384xf32, #tpu.memory_space<vmem>>[vector<16xi32>], vector<16xf32>,
      tpu.vector_store_idx %arg10[%parallel_loop3A_276], %parallel_loop3A_268 {add = true} : memref<16384xf32, #tpu.memory_space<vmem>>[vector<16xi32>], vector<16xf32>,
      tpu.vector_store_idx %arg10[%parallel_loop3A_280], %parallel_loop3A_272 {add = true} : memref<16384xf32, #tpu.memory_space<vmem>>[vector<16xi32>], vector<16xf32>,
    } {sc.loop_unroll_factor = 1 : i64, sc.parallel_access}
    %add3A_165 = arith.constant 180224 : i32
    %add3A_166 = arith.addi %mul3A_2, %add3A_165 : i32
    %dma_start3A_167 = tpu.memref_slice %arg3[%add3A_166] : memref<8388608xi32, #tpu.memory_space<hbm>> -> memref<16384xi32, #tpu.memory_space<hbm>>
    %dma_start3A_168 = tpu.memref_slice %arg3[%add3A_166] : memref<8388608xi32, #tpu.memory_space<hbm>> -> memref<16384xi32, #tpu.memory_space<hbm>>
    tpu.enqueue_dma source(%dma_start3A_168 : memref<16384xi32, #tpu.memory_space<hbm>>) target(%arg6 : memref<16384xi32, #tpu.memory_space<vmem>>) target_semaphore(%arg13 : memref<!tpu.dma_semaphore, #tpu.memory_space<semaphore_mem>>)
    %add3A_169 = arith.constant 180224 : i32
    %add3A_170 = arith.addi %mul3A_2, %add3A_169 : i32
    %dma_start3A_171 = tpu.memref_slice %arg2[%add3A_170] : memref<8388608xf32, #tpu.memory_space<hbm>> -> memref<16384xf32, #tpu.memory_space<hbm>>
    %dma_start3A_172 = tpu.memref_slice %arg2[%add3A_170] : memref<8388608xf32, #tpu.memory_space<hbm>> -> memref<16384xf32, #tpu.memory_space<hbm>>
    tpu.enqueue_dma source(%dma_start3A_172 : memref<16384xf32, #tpu.memory_space<hbm>>) target(%arg8 : memref<16384xf32, #tpu.memory_space<vmem>>) target_semaphore(%arg13 : memref<!tpu.dma_semaphore, #tpu.memory_space<semaphore_mem>>)
    %dma_wait3A_173 = tpu.memref_slice %arg3[%add3A_151] : memref<8388608xi32, #tpu.memory_space<hbm>> -> memref<16384xi32, #tpu.memory_space<hbm>>
    %dma_wait3A_174 = tpu.memref_slice %arg3[%add3A_151] : memref<8388608xi32, #tpu.memory_space<hbm>> -> memref<16384xi32, #tpu.memory_space<hbm>>
    tpu.wait_dma2 semaphore(%arg12 : memref<!tpu.dma_semaphore, #tpu.memory_space<semaphore_mem>>) src(%dma_wait3A_174 : memref<16384xi32, #tpu.memory_space<hbm>>) dst(%arg5 : memref<16384xi32, #tpu.memory_space<vmem>>)
    %dma_wait3A_175 = tpu.memref_slice %arg2[%add3A_155] : memref<8388608xf32, #tpu.memory_space<hbm>> -> memref<16384xf32, #tpu.memory_space<hbm>>
    %dma_wait3A_176 = tpu.memref_slice %arg2[%add3A_155] : memref<8388608xf32, #tpu.memory_space<hbm>> -> memref<16384xf32, #tpu.memory_space<hbm>>
    tpu.wait_dma2 semaphore(%arg12 : memref<!tpu.dma_semaphore, #tpu.memory_space<semaphore_mem>>) src(%dma_wait3A_176 : memref<16384xf32, #tpu.memory_space<hbm>>) dst(%arg7 : memref<16384xf32, #tpu.memory_space<vmem>>)
    %parallel_loop3A_177 = arith.constant 0 : i32
    %parallel_loop3A_178 = arith.constant 1024 : i32
    %parallel_loop3A_179 = arith.constant 2 : i32
    scf.for %parallel_loop3A_254 = %parallel_loop3A_177 to %parallel_loop3A_178 step %parallel_loop3A_179  : i32 {
      %parallel_loop3A_255 = arith.constant 16 : i32
      %parallel_loop3A_256 = arith.muli %parallel_loop3A_254, %parallel_loop3A_255 : i32
      %parallel_loop3A_257 = arith.constant 0 : i32
      %parallel_loop3A_258 = arith.addi %parallel_loop3A_256, %parallel_loop3A_257 : i32
      %parallel_loop3A_259 = arith.index_cast %parallel_loop3A_258 : i32 to index
      %parallel_loop3A_260 = tpu.vector_load %arg5[%parallel_loop3A_259] {strides = array<i32>} : memref<16384xi32, #tpu.memory_space<vmem>>, vector<16xi32>,
      %parallel_loop3A_261 = arith.constant 16 : i32
      %parallel_loop3A_262 = arith.addi %parallel_loop3A_256, %parallel_loop3A_261 : i32
      %parallel_loop3A_263 = arith.index_cast %parallel_loop3A_262 : i32 to index
      %parallel_loop3A_264 = tpu.vector_load %arg5[%parallel_loop3A_263] {strides = array<i32>} : memref<16384xi32, #tpu.memory_space<vmem>>, vector<16xi32>,
      %parallel_loop3A_265 = arith.constant 0 : i32
      %parallel_loop3A_266 = arith.addi %parallel_loop3A_256, %parallel_loop3A_265 : i32
      %parallel_loop3A_267 = arith.index_cast %parallel_loop3A_266 : i32 to index
      %parallel_loop3A_268 = tpu.vector_load %arg7[%parallel_loop3A_267] {strides = array<i32>} : memref<16384xf32, #tpu.memory_space<vmem>>, vector<16xf32>,
      %parallel_loop3A_269 = arith.constant 16 : i32
      %parallel_loop3A_270 = arith.addi %parallel_loop3A_256, %parallel_loop3A_269 : i32
      %parallel_loop3A_271 = arith.index_cast %parallel_loop3A_270 : i32 to index
      %parallel_loop3A_272 = tpu.vector_load %arg7[%parallel_loop3A_271] {strides = array<i32>} : memref<16384xf32, #tpu.memory_space<vmem>>, vector<16xf32>,
      %parallel_loop3A_273 = arith.constant 16 : i32
      %parallel_loop3A_274 = vector.broadcast %parallel_loop3A_273 : i32 to vector<16xi32>
      %parallel_loop3A_275 = arith.muli %parallel_loop3A_260, %parallel_loop3A_274 : vector<16xi32>
      %parallel_loop3A_276 = arith.addi %parallel_loop3A_275, %iota3A : vector<16xi32>
      %parallel_loop3A_277 = arith.constant 16 : i32
      %parallel_loop3A_278 = vector.broadcast %parallel_loop3A_277 : i32 to vector<16xi32>
      %parallel_loop3A_279 = arith.muli %parallel_loop3A_264, %parallel_loop3A_278 : vector<16xi32>
      %parallel_loop3A_280 = arith.addi %parallel_loop3A_279, %iota3A : vector<16xi32>
      tpu.vector_store_idx %arg9[%parallel_loop3A_276], %broadcast_in_dim3A_3 {add = true} : memref<16384xf32, #tpu.memory_space<vmem>>[vector<16xi32>], vector<16xf32>,
      tpu.vector_store_idx %arg9[%parallel_loop3A_280], %broadcast_in_dim3A_3 {add = true} : memref<16384xf32, #tpu.memory_space<vmem>>[vector<16xi32>], vector<16xf32>,
      tpu.vector_store_idx %arg10[%parallel_loop3A_276], %parallel_loop3A_268 {add = true} : memref<16384xf32, #tpu.memory_space<vmem>>[vector<16xi32>], vector<16xf32>,
      tpu.vector_store_idx %arg10[%parallel_loop3A_280], %parallel_loop3A_272 {add = true} : memref<16384xf32, #tpu.memory_space<vmem>>[vector<16xi32>], vector<16xf32>,
    } {sc.loop_unroll_factor = 1 : i64, sc.parallel_access}
    %add3A_180 = arith.constant 196608 : i32
    %add3A_181 = arith.addi %mul3A_2, %add3A_180 : i32
    %dma_start3A_182 = tpu.memref_slice %arg3[%add3A_181] : memref<8388608xi32, #tpu.memory_space<hbm>> -> memref<16384xi32, #tpu.memory_space<hbm>>
    %dma_start3A_183 = tpu.memref_slice %arg3[%add3A_181] : memref<8388608xi32, #tpu.memory_space<hbm>> -> memref<16384xi32, #tpu.memory_space<hbm>>
    tpu.enqueue_dma source(%dma_start3A_183 : memref<16384xi32, #tpu.memory_space<hbm>>) target(%arg5 : memref<16384xi32, #tpu.memory_space<vmem>>) target_semaphore(%arg12 : memref<!tpu.dma_semaphore, #tpu.memory_space<semaphore_mem>>)
    %add3A_184 = arith.constant 196608 : i32
    %add3A_185 = arith.addi %mul3A_2, %add3A_184 : i32
    %dma_start3A_186 = tpu.memref_slice %arg2[%add3A_185] : memref<8388608xf32, #tpu.memory_space<hbm>> -> memref<16384xf32, #tpu.memory_space<hbm>>
    %dma_start3A_187 = tpu.memref_slice %arg2[%add3A_185] : memref<8388608xf32, #tpu.memory_space<hbm>> -> memref<16384xf32, #tpu.memory_space<hbm>>
    tpu.enqueue_dma source(%dma_start3A_187 : memref<16384xf32, #tpu.memory_space<hbm>>) target(%arg7 : memref<16384xf32, #tpu.memory_space<vmem>>) target_semaphore(%arg12 : memref<!tpu.dma_semaphore, #tpu.memory_space<semaphore_mem>>)
    %dma_wait3A_188 = tpu.memref_slice %arg3[%add3A_166] : memref<8388608xi32, #tpu.memory_space<hbm>> -> memref<16384xi32, #tpu.memory_space<hbm>>
    %dma_wait3A_189 = tpu.memref_slice %arg3[%add3A_166] : memref<8388608xi32, #tpu.memory_space<hbm>> -> memref<16384xi32, #tpu.memory_space<hbm>>
    tpu.wait_dma2 semaphore(%arg13 : memref<!tpu.dma_semaphore, #tpu.memory_space<semaphore_mem>>) src(%dma_wait3A_189 : memref<16384xi32, #tpu.memory_space<hbm>>) dst(%arg6 : memref<16384xi32, #tpu.memory_space<vmem>>)
    %dma_wait3A_190 = tpu.memref_slice %arg2[%add3A_170] : memref<8388608xf32, #tpu.memory_space<hbm>> -> memref<16384xf32, #tpu.memory_space<hbm>>
    %dma_wait3A_191 = tpu.memref_slice %arg2[%add3A_170] : memref<8388608xf32, #tpu.memory_space<hbm>> -> memref<16384xf32, #tpu.memory_space<hbm>>
    tpu.wait_dma2 semaphore(%arg13 : memref<!tpu.dma_semaphore, #tpu.memory_space<semaphore_mem>>) src(%dma_wait3A_191 : memref<16384xf32, #tpu.memory_space<hbm>>) dst(%arg8 : memref<16384xf32, #tpu.memory_space<vmem>>)
    %parallel_loop3A_192 = arith.constant 0 : i32
    %parallel_loop3A_193 = arith.constant 1024 : i32
    %parallel_loop3A_194 = arith.constant 2 : i32
    scf.for %parallel_loop3A_254 = %parallel_loop3A_192 to %parallel_loop3A_193 step %parallel_loop3A_194  : i32 {
      %parallel_loop3A_255 = arith.constant 16 : i32
      %parallel_loop3A_256 = arith.muli %parallel_loop3A_254, %parallel_loop3A_255 : i32
      %parallel_loop3A_257 = arith.constant 0 : i32
      %parallel_loop3A_258 = arith.addi %parallel_loop3A_256, %parallel_loop3A_257 : i32
      %parallel_loop3A_259 = arith.index_cast %parallel_loop3A_258 : i32 to index
      %parallel_loop3A_260 = tpu.vector_load %arg6[%parallel_loop3A_259] {strides = array<i32>} : memref<16384xi32, #tpu.memory_space<vmem>>, vector<16xi32>,
      %parallel_loop3A_261 = arith.constant 16 : i32
      %parallel_loop3A_262 = arith.addi %parallel_loop3A_256, %parallel_loop3A_261 : i32
      %parallel_loop3A_263 = arith.index_cast %parallel_loop3A_262 : i32 to index
      %parallel_loop3A_264 = tpu.vector_load %arg6[%parallel_loop3A_263] {strides = array<i32>} : memref<16384xi32, #tpu.memory_space<vmem>>, vector<16xi32>,
      %parallel_loop3A_265 = arith.constant 0 : i32
      %parallel_loop3A_266 = arith.addi %parallel_loop3A_256, %parallel_loop3A_265 : i32
      %parallel_loop3A_267 = arith.index_cast %parallel_loop3A_266 : i32 to index
      %parallel_loop3A_268 = tpu.vector_load %arg8[%parallel_loop3A_267] {strides = array<i32>} : memref<16384xf32, #tpu.memory_space<vmem>>, vector<16xf32>,
      %parallel_loop3A_269 = arith.constant 16 : i32
      %parallel_loop3A_270 = arith.addi %parallel_loop3A_256, %parallel_loop3A_269 : i32
      %parallel_loop3A_271 = arith.index_cast %parallel_loop3A_270 : i32 to index
      %parallel_loop3A_272 = tpu.vector_load %arg8[%parallel_loop3A_271] {strides = array<i32>} : memref<16384xf32, #tpu.memory_space<vmem>>, vector<16xf32>,
      %parallel_loop3A_273 = arith.constant 16 : i32
      %parallel_loop3A_274 = vector.broadcast %parallel_loop3A_273 : i32 to vector<16xi32>
      %parallel_loop3A_275 = arith.muli %parallel_loop3A_260, %parallel_loop3A_274 : vector<16xi32>
      %parallel_loop3A_276 = arith.addi %parallel_loop3A_275, %iota3A : vector<16xi32>
      %parallel_loop3A_277 = arith.constant 16 : i32
      %parallel_loop3A_278 = vector.broadcast %parallel_loop3A_277 : i32 to vector<16xi32>
      %parallel_loop3A_279 = arith.muli %parallel_loop3A_264, %parallel_loop3A_278 : vector<16xi32>
      %parallel_loop3A_280 = arith.addi %parallel_loop3A_279, %iota3A : vector<16xi32>
      tpu.vector_store_idx %arg9[%parallel_loop3A_276], %broadcast_in_dim3A_3 {add = true} : memref<16384xf32, #tpu.memory_space<vmem>>[vector<16xi32>], vector<16xf32>,
      tpu.vector_store_idx %arg9[%parallel_loop3A_280], %broadcast_in_dim3A_3 {add = true} : memref<16384xf32, #tpu.memory_space<vmem>>[vector<16xi32>], vector<16xf32>,
      tpu.vector_store_idx %arg10[%parallel_loop3A_276], %parallel_loop3A_268 {add = true} : memref<16384xf32, #tpu.memory_space<vmem>>[vector<16xi32>], vector<16xf32>,
      tpu.vector_store_idx %arg10[%parallel_loop3A_280], %parallel_loop3A_272 {add = true} : memref<16384xf32, #tpu.memory_space<vmem>>[vector<16xi32>], vector<16xf32>,
    } {sc.loop_unroll_factor = 1 : i64, sc.parallel_access}
    %add3A_195 = arith.constant 212992 : i32
    %add3A_196 = arith.addi %mul3A_2, %add3A_195 : i32
    %dma_start3A_197 = tpu.memref_slice %arg3[%add3A_196] : memref<8388608xi32, #tpu.memory_space<hbm>> -> memref<16384xi32, #tpu.memory_space<hbm>>
    %dma_start3A_198 = tpu.memref_slice %arg3[%add3A_196] : memref<8388608xi32, #tpu.memory_space<hbm>> -> memref<16384xi32, #tpu.memory_space<hbm>>
    tpu.enqueue_dma source(%dma_start3A_198 : memref<16384xi32, #tpu.memory_space<hbm>>) target(%arg6 : memref<16384xi32, #tpu.memory_space<vmem>>) target_semaphore(%arg13 : memref<!tpu.dma_semaphore, #tpu.memory_space<semaphore_mem>>)
    %add3A_199 = arith.constant 212992 : i32
    %add3A_200 = arith.addi %mul3A_2, %add3A_199 : i32
    %dma_start3A_201 = tpu.memref_slice %arg2[%add3A_200] : memref<8388608xf32, #tpu.memory_space<hbm>> -> memref<16384xf32, #tpu.memory_space<hbm>>
    %dma_start3A_202 = tpu.memref_slice %arg2[%add3A_200] : memref<8388608xf32, #tpu.memory_space<hbm>> -> memref<16384xf32, #tpu.memory_space<hbm>>
    tpu.enqueue_dma source(%dma_start3A_202 : memref<16384xf32, #tpu.memory_space<hbm>>) target(%arg8 : memref<16384xf32, #tpu.memory_space<vmem>>) target_semaphore(%arg13 : memref<!tpu.dma_semaphore, #tpu.memory_space<semaphore_mem>>)
    %dma_wait3A_203 = tpu.memref_slice %arg3[%add3A_181] : memref<8388608xi32, #tpu.memory_space<hbm>> -> memref<16384xi32, #tpu.memory_space<hbm>>
    %dma_wait3A_204 = tpu.memref_slice %arg3[%add3A_181] : memref<8388608xi32, #tpu.memory_space<hbm>> -> memref<16384xi32, #tpu.memory_space<hbm>>
    tpu.wait_dma2 semaphore(%arg12 : memref<!tpu.dma_semaphore, #tpu.memory_space<semaphore_mem>>) src(%dma_wait3A_204 : memref<16384xi32, #tpu.memory_space<hbm>>) dst(%arg5 : memref<16384xi32, #tpu.memory_space<vmem>>)
    %dma_wait3A_205 = tpu.memref_slice %arg2[%add3A_185] : memref<8388608xf32, #tpu.memory_space<hbm>> -> memref<16384xf32, #tpu.memory_space<hbm>>
    %dma_wait3A_206 = tpu.memref_slice %arg2[%add3A_185] : memref<8388608xf32, #tpu.memory_space<hbm>> -> memref<16384xf32, #tpu.memory_space<hbm>>
    tpu.wait_dma2 semaphore(%arg12 : memref<!tpu.dma_semaphore, #tpu.memory_space<semaphore_mem>>) src(%dma_wait3A_206 : memref<16384xf32, #tpu.memory_space<hbm>>) dst(%arg7 : memref<16384xf32, #tpu.memory_space<vmem>>)
    %parallel_loop3A_207 = arith.constant 0 : i32
    %parallel_loop3A_208 = arith.constant 1024 : i32
    %parallel_loop3A_209 = arith.constant 2 : i32
    scf.for %parallel_loop3A_254 = %parallel_loop3A_207 to %parallel_loop3A_208 step %parallel_loop3A_209  : i32 {
      %parallel_loop3A_255 = arith.constant 16 : i32
      %parallel_loop3A_256 = arith.muli %parallel_loop3A_254, %parallel_loop3A_255 : i32
      %parallel_loop3A_257 = arith.constant 0 : i32
      %parallel_loop3A_258 = arith.addi %parallel_loop3A_256, %parallel_loop3A_257 : i32
      %parallel_loop3A_259 = arith.index_cast %parallel_loop3A_258 : i32 to index
      %parallel_loop3A_260 = tpu.vector_load %arg5[%parallel_loop3A_259] {strides = array<i32>} : memref<16384xi32, #tpu.memory_space<vmem>>, vector<16xi32>,
      %parallel_loop3A_261 = arith.constant 16 : i32
      %parallel_loop3A_262 = arith.addi %parallel_loop3A_256, %parallel_loop3A_261 : i32
      %parallel_loop3A_263 = arith.index_cast %parallel_loop3A_262 : i32 to index
      %parallel_loop3A_264 = tpu.vector_load %arg5[%parallel_loop3A_263] {strides = array<i32>} : memref<16384xi32, #tpu.memory_space<vmem>>, vector<16xi32>,
      %parallel_loop3A_265 = arith.constant 0 : i32
      %parallel_loop3A_266 = arith.addi %parallel_loop3A_256, %parallel_loop3A_265 : i32
      %parallel_loop3A_267 = arith.index_cast %parallel_loop3A_266 : i32 to index
      %parallel_loop3A_268 = tpu.vector_load %arg7[%parallel_loop3A_267] {strides = array<i32>} : memref<16384xf32, #tpu.memory_space<vmem>>, vector<16xf32>,
      %parallel_loop3A_269 = arith.constant 16 : i32
      %parallel_loop3A_270 = arith.addi %parallel_loop3A_256, %parallel_loop3A_269 : i32
      %parallel_loop3A_271 = arith.index_cast %parallel_loop3A_270 : i32 to index
      %parallel_loop3A_272 = tpu.vector_load %arg7[%parallel_loop3A_271] {strides = array<i32>} : memref<16384xf32, #tpu.memory_space<vmem>>, vector<16xf32>,
      %parallel_loop3A_273 = arith.constant 16 : i32
      %parallel_loop3A_274 = vector.broadcast %parallel_loop3A_273 : i32 to vector<16xi32>
      %parallel_loop3A_275 = arith.muli %parallel_loop3A_260, %parallel_loop3A_274 : vector<16xi32>
      %parallel_loop3A_276 = arith.addi %parallel_loop3A_275, %iota3A : vector<16xi32>
      %parallel_loop3A_277 = arith.constant 16 : i32
      %parallel_loop3A_278 = vector.broadcast %parallel_loop3A_277 : i32 to vector<16xi32>
      %parallel_loop3A_279 = arith.muli %parallel_loop3A_264, %parallel_loop3A_278 : vector<16xi32>
      %parallel_loop3A_280 = arith.addi %parallel_loop3A_279, %iota3A : vector<16xi32>
      tpu.vector_store_idx %arg9[%parallel_loop3A_276], %broadcast_in_dim3A_3 {add = true} : memref<16384xf32, #tpu.memory_space<vmem>>[vector<16xi32>], vector<16xf32>,
      tpu.vector_store_idx %arg9[%parallel_loop3A_280], %broadcast_in_dim3A_3 {add = true} : memref<16384xf32, #tpu.memory_space<vmem>>[vector<16xi32>], vector<16xf32>,
      tpu.vector_store_idx %arg10[%parallel_loop3A_276], %parallel_loop3A_268 {add = true} : memref<16384xf32, #tpu.memory_space<vmem>>[vector<16xi32>], vector<16xf32>,
      tpu.vector_store_idx %arg10[%parallel_loop3A_280], %parallel_loop3A_272 {add = true} : memref<16384xf32, #tpu.memory_space<vmem>>[vector<16xi32>], vector<16xf32>,
    } {sc.loop_unroll_factor = 1 : i64, sc.parallel_access}
    %add3A_210 = arith.constant 229376 : i32
    %add3A_211 = arith.addi %mul3A_2, %add3A_210 : i32
    %dma_start3A_212 = tpu.memref_slice %arg3[%add3A_211] : memref<8388608xi32, #tpu.memory_space<hbm>> -> memref<16384xi32, #tpu.memory_space<hbm>>
    %dma_start3A_213 = tpu.memref_slice %arg3[%add3A_211] : memref<8388608xi32, #tpu.memory_space<hbm>> -> memref<16384xi32, #tpu.memory_space<hbm>>
    tpu.enqueue_dma source(%dma_start3A_213 : memref<16384xi32, #tpu.memory_space<hbm>>) target(%arg5 : memref<16384xi32, #tpu.memory_space<vmem>>) target_semaphore(%arg12 : memref<!tpu.dma_semaphore, #tpu.memory_space<semaphore_mem>>)
    %add3A_214 = arith.constant 229376 : i32
    %add3A_215 = arith.addi %mul3A_2, %add3A_214 : i32
    %dma_start3A_216 = tpu.memref_slice %arg2[%add3A_215] : memref<8388608xf32, #tpu.memory_space<hbm>> -> memref<16384xf32, #tpu.memory_space<hbm>>
    %dma_start3A_217 = tpu.memref_slice %arg2[%add3A_215] : memref<8388608xf32, #tpu.memory_space<hbm>> -> memref<16384xf32, #tpu.memory_space<hbm>>
    tpu.enqueue_dma source(%dma_start3A_217 : memref<16384xf32, #tpu.memory_space<hbm>>) target(%arg7 : memref<16384xf32, #tpu.memory_space<vmem>>) target_semaphore(%arg12 : memref<!tpu.dma_semaphore, #tpu.memory_space<semaphore_mem>>)
    %dma_wait3A_218 = tpu.memref_slice %arg3[%add3A_196] : memref<8388608xi32, #tpu.memory_space<hbm>> -> memref<16384xi32, #tpu.memory_space<hbm>>
    %dma_wait3A_219 = tpu.memref_slice %arg3[%add3A_196] : memref<8388608xi32, #tpu.memory_space<hbm>> -> memref<16384xi32, #tpu.memory_space<hbm>>
    tpu.wait_dma2 semaphore(%arg13 : memref<!tpu.dma_semaphore, #tpu.memory_space<semaphore_mem>>) src(%dma_wait3A_219 : memref<16384xi32, #tpu.memory_space<hbm>>) dst(%arg6 : memref<16384xi32, #tpu.memory_space<vmem>>)
    %dma_wait3A_220 = tpu.memref_slice %arg2[%add3A_200] : memref<8388608xf32, #tpu.memory_space<hbm>> -> memref<16384xf32, #tpu.memory_space<hbm>>
    %dma_wait3A_221 = tpu.memref_slice %arg2[%add3A_200] : memref<8388608xf32, #tpu.memory_space<hbm>> -> memref<16384xf32, #tpu.memory_space<hbm>>
    tpu.wait_dma2 semaphore(%arg13 : memref<!tpu.dma_semaphore, #tpu.memory_space<semaphore_mem>>) src(%dma_wait3A_221 : memref<16384xf32, #tpu.memory_space<hbm>>) dst(%arg8 : memref<16384xf32, #tpu.memory_space<vmem>>)
    %parallel_loop3A_222 = arith.constant 0 : i32
    %parallel_loop3A_223 = arith.constant 1024 : i32
    %parallel_loop3A_224 = arith.constant 2 : i32
    scf.for %parallel_loop3A_254 = %parallel_loop3A_222 to %parallel_loop3A_223 step %parallel_loop3A_224  : i32 {
      %parallel_loop3A_255 = arith.constant 16 : i32
      %parallel_loop3A_256 = arith.muli %parallel_loop3A_254, %parallel_loop3A_255 : i32
      %parallel_loop3A_257 = arith.constant 0 : i32
      %parallel_loop3A_258 = arith.addi %parallel_loop3A_256, %parallel_loop3A_257 : i32
      %parallel_loop3A_259 = arith.index_cast %parallel_loop3A_258 : i32 to index
      %parallel_loop3A_260 = tpu.vector_load %arg6[%parallel_loop3A_259] {strides = array<i32>} : memref<16384xi32, #tpu.memory_space<vmem>>, vector<16xi32>,
      %parallel_loop3A_261 = arith.constant 16 : i32
      %parallel_loop3A_262 = arith.addi %parallel_loop3A_256, %parallel_loop3A_261 : i32
      %parallel_loop3A_263 = arith.index_cast %parallel_loop3A_262 : i32 to index
      %parallel_loop3A_264 = tpu.vector_load %arg6[%parallel_loop3A_263] {strides = array<i32>} : memref<16384xi32, #tpu.memory_space<vmem>>, vector<16xi32>,
      %parallel_loop3A_265 = arith.constant 0 : i32
      %parallel_loop3A_266 = arith.addi %parallel_loop3A_256, %parallel_loop3A_265 : i32
      %parallel_loop3A_267 = arith.index_cast %parallel_loop3A_266 : i32 to index
      %parallel_loop3A_268 = tpu.vector_load %arg8[%parallel_loop3A_267] {strides = array<i32>} : memref<16384xf32, #tpu.memory_space<vmem>>, vector<16xf32>,
      %parallel_loop3A_269 = arith.constant 16 : i32
      %parallel_loop3A_270 = arith.addi %parallel_loop3A_256, %parallel_loop3A_269 : i32
      %parallel_loop3A_271 = arith.index_cast %parallel_loop3A_270 : i32 to index
      %parallel_loop3A_272 = tpu.vector_load %arg8[%parallel_loop3A_271] {strides = array<i32>} : memref<16384xf32, #tpu.memory_space<vmem>>, vector<16xf32>,
      %parallel_loop3A_273 = arith.constant 16 : i32
      %parallel_loop3A_274 = vector.broadcast %parallel_loop3A_273 : i32 to vector<16xi32>
      %parallel_loop3A_275 = arith.muli %parallel_loop3A_260, %parallel_loop3A_274 : vector<16xi32>
      %parallel_loop3A_276 = arith.addi %parallel_loop3A_275, %iota3A : vector<16xi32>
      %parallel_loop3A_277 = arith.constant 16 : i32
      %parallel_loop3A_278 = vector.broadcast %parallel_loop3A_277 : i32 to vector<16xi32>
      %parallel_loop3A_279 = arith.muli %parallel_loop3A_264, %parallel_loop3A_278 : vector<16xi32>
      %parallel_loop3A_280 = arith.addi %parallel_loop3A_279, %iota3A : vector<16xi32>
      tpu.vector_store_idx %arg9[%parallel_loop3A_276], %broadcast_in_dim3A_3 {add = true} : memref<16384xf32, #tpu.memory_space<vmem>>[vector<16xi32>], vector<16xf32>,
      tpu.vector_store_idx %arg9[%parallel_loop3A_280], %broadcast_in_dim3A_3 {add = true} : memref<16384xf32, #tpu.memory_space<vmem>>[vector<16xi32>], vector<16xf32>,
      tpu.vector_store_idx %arg10[%parallel_loop3A_276], %parallel_loop3A_268 {add = true} : memref<16384xf32, #tpu.memory_space<vmem>>[vector<16xi32>], vector<16xf32>,
      tpu.vector_store_idx %arg10[%parallel_loop3A_280], %parallel_loop3A_272 {add = true} : memref<16384xf32, #tpu.memory_space<vmem>>[vector<16xi32>], vector<16xf32>,
    } {sc.loop_unroll_factor = 1 : i64, sc.parallel_access}
    %add3A_225 = arith.constant 245760 : i32
    %add3A_226 = arith.addi %mul3A_2, %add3A_225 : i32
    %dma_start3A_227 = tpu.memref_slice %arg3[%add3A_226] : memref<8388608xi32, #tpu.memory_space<hbm>> -> memref<16384xi32, #tpu.memory_space<hbm>>
    %dma_start3A_228 = tpu.memref_slice %arg3[%add3A_226] : memref<8388608xi32, #tpu.memory_space<hbm>> -> memref<16384xi32, #tpu.memory_space<hbm>>
    tpu.enqueue_dma source(%dma_start3A_228 : memref<16384xi32, #tpu.memory_space<hbm>>) target(%arg6 : memref<16384xi32, #tpu.memory_space<vmem>>) target_semaphore(%arg13 : memref<!tpu.dma_semaphore, #tpu.memory_space<semaphore_mem>>)
    %add3A_229 = arith.constant 245760 : i32
    %add3A_230 = arith.addi %mul3A_2, %add3A_229 : i32
    %dma_start3A_231 = tpu.memref_slice %arg2[%add3A_230] : memref<8388608xf32, #tpu.memory_space<hbm>> -> memref<16384xf32, #tpu.memory_space<hbm>>
    %dma_start3A_232 = tpu.memref_slice %arg2[%add3A_230] : memref<8388608xf32, #tpu.memory_space<hbm>> -> memref<16384xf32, #tpu.memory_space<hbm>>
    tpu.enqueue_dma source(%dma_start3A_232 : memref<16384xf32, #tpu.memory_space<hbm>>) target(%arg8 : memref<16384xf32, #tpu.memory_space<vmem>>) target_semaphore(%arg13 : memref<!tpu.dma_semaphore, #tpu.memory_space<semaphore_mem>>)
    %dma_wait3A_233 = tpu.memref_slice %arg3[%add3A_211] : memref<8388608xi32, #tpu.memory_space<hbm>> -> memref<16384xi32, #tpu.memory_space<hbm>>
    %dma_wait3A_234 = tpu.memref_slice %arg3[%add3A_211] : memref<8388608xi32, #tpu.memory_space<hbm>> -> memref<16384xi32, #tpu.memory_space<hbm>>
    tpu.wait_dma2 semaphore(%arg12 : memref<!tpu.dma_semaphore, #tpu.memory_space<semaphore_mem>>) src(%dma_wait3A_234 : memref<16384xi32, #tpu.memory_space<hbm>>) dst(%arg5 : memref<16384xi32, #tpu.memory_space<vmem>>)
    %dma_wait3A_235 = tpu.memref_slice %arg2[%add3A_215] : memref<8388608xf32, #tpu.memory_space<hbm>> -> memref<16384xf32, #tpu.memory_space<hbm>>
    %dma_wait3A_236 = tpu.memref_slice %arg2[%add3A_215] : memref<8388608xf32, #tpu.memory_space<hbm>> -> memref<16384xf32, #tpu.memory_space<hbm>>
    tpu.wait_dma2 semaphore(%arg12 : memref<!tpu.dma_semaphore, #tpu.memory_space<semaphore_mem>>) src(%dma_wait3A_236 : memref<16384xf32, #tpu.memory_space<hbm>>) dst(%arg7 : memref<16384xf32, #tpu.memory_space<vmem>>)
    %parallel_loop3A_237 = arith.constant 0 : i32
    %parallel_loop3A_238 = arith.constant 1024 : i32
    %parallel_loop3A_239 = arith.constant 2 : i32
    scf.for %parallel_loop3A_254 = %parallel_loop3A_237 to %parallel_loop3A_238 step %parallel_loop3A_239  : i32 {
      %parallel_loop3A_255 = arith.constant 16 : i32
      %parallel_loop3A_256 = arith.muli %parallel_loop3A_254, %parallel_loop3A_255 : i32
      %parallel_loop3A_257 = arith.constant 0 : i32
      %parallel_loop3A_258 = arith.addi %parallel_loop3A_256, %parallel_loop3A_257 : i32
      %parallel_loop3A_259 = arith.index_cast %parallel_loop3A_258 : i32 to index
      %parallel_loop3A_260 = tpu.vector_load %arg5[%parallel_loop3A_259] {strides = array<i32>} : memref<16384xi32, #tpu.memory_space<vmem>>, vector<16xi32>,
      %parallel_loop3A_261 = arith.constant 16 : i32
      %parallel_loop3A_262 = arith.addi %parallel_loop3A_256, %parallel_loop3A_261 : i32
      %parallel_loop3A_263 = arith.index_cast %parallel_loop3A_262 : i32 to index
      %parallel_loop3A_264 = tpu.vector_load %arg5[%parallel_loop3A_263] {strides = array<i32>} : memref<16384xi32, #tpu.memory_space<vmem>>, vector<16xi32>,
      %parallel_loop3A_265 = arith.constant 0 : i32
      %parallel_loop3A_266 = arith.addi %parallel_loop3A_256, %parallel_loop3A_265 : i32
      %parallel_loop3A_267 = arith.index_cast %parallel_loop3A_266 : i32 to index
      %parallel_loop3A_268 = tpu.vector_load %arg7[%parallel_loop3A_267] {strides = array<i32>} : memref<16384xf32, #tpu.memory_space<vmem>>, vector<16xf32>,
      %parallel_loop3A_269 = arith.constant 16 : i32
      %parallel_loop3A_270 = arith.addi %parallel_loop3A_256, %parallel_loop3A_269 : i32
      %parallel_loop3A_271 = arith.index_cast %parallel_loop3A_270 : i32 to index
      %parallel_loop3A_272 = tpu.vector_load %arg7[%parallel_loop3A_271] {strides = array<i32>} : memref<16384xf32, #tpu.memory_space<vmem>>, vector<16xf32>,
      %parallel_loop3A_273 = arith.constant 16 : i32
      %parallel_loop3A_274 = vector.broadcast %parallel_loop3A_273 : i32 to vector<16xi32>
      %parallel_loop3A_275 = arith.muli %parallel_loop3A_260, %parallel_loop3A_274 : vector<16xi32>
      %parallel_loop3A_276 = arith.addi %parallel_loop3A_275, %iota3A : vector<16xi32>
      %parallel_loop3A_277 = arith.constant 16 : i32
      %parallel_loop3A_278 = vector.broadcast %parallel_loop3A_277 : i32 to vector<16xi32>
      %parallel_loop3A_279 = arith.muli %parallel_loop3A_264, %parallel_loop3A_278 : vector<16xi32>
      %parallel_loop3A_280 = arith.addi %parallel_loop3A_279, %iota3A : vector<16xi32>
      tpu.vector_store_idx %arg9[%parallel_loop3A_276], %broadcast_in_dim3A_3 {add = true} : memref<16384xf32, #tpu.memory_space<vmem>>[vector<16xi32>], vector<16xf32>,
      tpu.vector_store_idx %arg9[%parallel_loop3A_280], %broadcast_in_dim3A_3 {add = true} : memref<16384xf32, #tpu.memory_space<vmem>>[vector<16xi32>], vector<16xf32>,
      tpu.vector_store_idx %arg10[%parallel_loop3A_276], %parallel_loop3A_268 {add = true} : memref<16384xf32, #tpu.memory_space<vmem>>[vector<16xi32>], vector<16xf32>,
      tpu.vector_store_idx %arg10[%parallel_loop3A_280], %parallel_loop3A_272 {add = true} : memref<16384xf32, #tpu.memory_space<vmem>>[vector<16xi32>], vector<16xf32>,
    } {sc.loop_unroll_factor = 1 : i64, sc.parallel_access}
    %dma_wait3A_240 = tpu.memref_slice %arg3[%add3A_226] : memref<8388608xi32, #tpu.memory_space<hbm>> -> memref<16384xi32, #tpu.memory_space<hbm>>
    %dma_wait3A_241 = tpu.memref_slice %arg3[%add3A_226] : memref<8388608xi32, #tpu.memory_space<hbm>> -> memref<16384xi32, #tpu.memory_space<hbm>>
    tpu.wait_dma2 semaphore(%arg13 : memref<!tpu.dma_semaphore, #tpu.memory_space<semaphore_mem>>) src(%dma_wait3A_241 : memref<16384xi32, #tpu.memory_space<hbm>>) dst(%arg6 : memref<16384xi32, #tpu.memory_space<vmem>>)
    %dma_wait3A_242 = tpu.memref_slice %arg2[%add3A_230] : memref<8388608xf32, #tpu.memory_space<hbm>> -> memref<16384xf32, #tpu.memory_space<hbm>>
    %dma_wait3A_243 = tpu.memref_slice %arg2[%add3A_230] : memref<8388608xf32, #tpu.memory_space<hbm>> -> memref<16384xf32, #tpu.memory_space<hbm>>
    tpu.wait_dma2 semaphore(%arg13 : memref<!tpu.dma_semaphore, #tpu.memory_space<semaphore_mem>>) src(%dma_wait3A_243 : memref<16384xf32, #tpu.memory_space<hbm>>) dst(%arg8 : memref<16384xf32, #tpu.memory_space<vmem>>)
    %parallel_loop3A_244 = arith.constant 0 : i32
    %parallel_loop3A_245 = arith.constant 1024 : i32
    %parallel_loop3A_246 = arith.constant 2 : i32
    scf.for %parallel_loop3A_254 = %parallel_loop3A_244 to %parallel_loop3A_245 step %parallel_loop3A_246  : i32 {
      %parallel_loop3A_255 = arith.constant 16 : i32
      %parallel_loop3A_256 = arith.muli %parallel_loop3A_254, %parallel_loop3A_255 : i32
      %parallel_loop3A_257 = arith.constant 0 : i32
      %parallel_loop3A_258 = arith.addi %parallel_loop3A_256, %parallel_loop3A_257 : i32
      %parallel_loop3A_259 = arith.index_cast %parallel_loop3A_258 : i32 to index
      %parallel_loop3A_260 = tpu.vector_load %arg6[%parallel_loop3A_259] {strides = array<i32>} : memref<16384xi32, #tpu.memory_space<vmem>>, vector<16xi32>,
      %parallel_loop3A_261 = arith.constant 16 : i32
      %parallel_loop3A_262 = arith.addi %parallel_loop3A_256, %parallel_loop3A_261 : i32
      %parallel_loop3A_263 = arith.index_cast %parallel_loop3A_262 : i32 to index
      %parallel_loop3A_264 = tpu.vector_load %arg6[%parallel_loop3A_263] {strides = array<i32>} : memref<16384xi32, #tpu.memory_space<vmem>>, vector<16xi32>,
      %parallel_loop3A_265 = arith.constant 0 : i32
      %parallel_loop3A_266 = arith.addi %parallel_loop3A_256, %parallel_loop3A_265 : i32
      %parallel_loop3A_267 = arith.index_cast %parallel_loop3A_266 : i32 to index
      %parallel_loop3A_268 = tpu.vector_load %arg8[%parallel_loop3A_267] {strides = array<i32>} : memref<16384xf32, #tpu.memory_space<vmem>>, vector<16xf32>,
      %parallel_loop3A_269 = arith.constant 16 : i32
      %parallel_loop3A_270 = arith.addi %parallel_loop3A_256, %parallel_loop3A_269 : i32
      %parallel_loop3A_271 = arith.index_cast %parallel_loop3A_270 : i32 to index
      %parallel_loop3A_272 = tpu.vector_load %arg8[%parallel_loop3A_271] {strides = array<i32>} : memref<16384xf32, #tpu.memory_space<vmem>>, vector<16xf32>,
      %parallel_loop3A_273 = arith.constant 16 : i32
      %parallel_loop3A_274 = vector.broadcast %parallel_loop3A_273 : i32 to vector<16xi32>
      %parallel_loop3A_275 = arith.muli %parallel_loop3A_260, %parallel_loop3A_274 : vector<16xi32>
      %parallel_loop3A_276 = arith.addi %parallel_loop3A_275, %iota3A : vector<16xi32>
      %parallel_loop3A_277 = arith.constant 16 : i32
      %parallel_loop3A_278 = vector.broadcast %parallel_loop3A_277 : i32 to vector<16xi32>
      %parallel_loop3A_279 = arith.muli %parallel_loop3A_264, %parallel_loop3A_278 : vector<16xi32>
      %parallel_loop3A_280 = arith.addi %parallel_loop3A_279, %iota3A : vector<16xi32>
      tpu.vector_store_idx %arg9[%parallel_loop3A_276], %broadcast_in_dim3A_3 {add = true} : memref<16384xf32, #tpu.memory_space<vmem>>[vector<16xi32>], vector<16xf32>,
      tpu.vector_store_idx %arg9[%parallel_loop3A_280], %broadcast_in_dim3A_3 {add = true} : memref<16384xf32, #tpu.memory_space<vmem>>[vector<16xi32>], vector<16xf32>,
      tpu.vector_store_idx %arg10[%parallel_loop3A_276], %parallel_loop3A_268 {add = true} : memref<16384xf32, #tpu.memory_space<vmem>>[vector<16xi32>], vector<16xf32>,
      tpu.vector_store_idx %arg10[%parallel_loop3A_280], %parallel_loop3A_272 {add = true} : memref<16384xf32, #tpu.memory_space<vmem>>[vector<16xi32>], vector<16xf32>,
    } {sc.loop_unroll_factor = 1 : i64, sc.parallel_access}
    %scan3A_247 = arith.constant 0 : i32
    %scan3A_248 = arith.constant 0 : i32
    %scan3A_249 = arith.constant 64 : i32
    %scan3A_250 = arith.addi %scan3A_248, %scan3A_249 : i32
    %scan3A_251 = arith.constant 1 : i32
    %scan3A_252 = scf.for %scan3A_254 = %scan3A_248 to %scan3A_250 step %scan3A_251 iter_args(%scan3A_255 = %scan3A_247) -> (i32)  : i32 {
      %mul3A_256 = arith.constant 16 : i32
      %mul3A_257 = arith.muli %scan3A_254, %mul3A_256 : i32
      %add3A_258 = vector.broadcast %mul3A_257 : i32 to vector<16xi32>
      %add3A_259 = arith.addi %add3A_258, %iota3A : vector<16xi32>
      %mul3A_260 = arith.constant 16 : i32
      %mul3A_261 = vector.broadcast %mul3A_260 : i32 to vector<16xi32>
      %mul3A_262 = arith.muli %add3A_259, %mul3A_261 : vector<16xi32>
      %broadcast_in_dim3A_263 = arith.constant 0.000000e+00 : f32
      %broadcast_in_dim3A_264 = vector.broadcast %broadcast_in_dim3A_263 : f32 to vector<16xf32>
      %broadcast_in_dim3A_265 = arith.constant 0.000000e+00 : f32
      %broadcast_in_dim3A_266 = vector.broadcast %broadcast_in_dim3A_265 : f32 to vector<16xf32>
      %xor3A = arith.constant 0 : i32
      %xor3A_267 = vector.broadcast %xor3A : i32 to vector<16xi32>
      %xor3A_268 = arith.xori %xor3A_267, %iota3A : vector<16xi32>
      %add3A_269 = arith.addi %mul3A_262, %xor3A_268 : vector<16xi32>
      %gather3A = tpu.vector_load_idx %arg9[%add3A_269] : memref<16384xf32, #tpu.memory_space<vmem>>[vector<16xi32>], vector<16xf32>,
      %add3A_270 = arith.addf %broadcast_in_dim3A_264, %gather3A : vector<16xf32>
      %gather3A_271 = tpu.vector_load_idx %arg10[%add3A_269] : memref<16384xf32, #tpu.memory_space<vmem>>[vector<16xi32>], vector<16xf32>,
      %add3A_272 = arith.addf %broadcast_in_dim3A_266, %gather3A_271 : vector<16xf32>
      %xor3A_273 = arith.constant 1 : i32
      %xor3A_274 = vector.broadcast %xor3A_273 : i32 to vector<16xi32>
      %xor3A_275 = arith.xori %xor3A_274, %iota3A : vector<16xi32>
      %add3A_276 = arith.addi %mul3A_262, %xor3A_275 : vector<16xi32>
      %gather3A_277 = tpu.vector_load_idx %arg9[%add3A_276] : memref<16384xf32, #tpu.memory_space<vmem>>[vector<16xi32>], vector<16xf32>,
      %add3A_278 = arith.addf %add3A_270, %gather3A_277 : vector<16xf32>
      %gather3A_279 = tpu.vector_load_idx %arg10[%add3A_276] : memref<16384xf32, #tpu.memory_space<vmem>>[vector<16xi32>], vector<16xf32>,
      %add3A_280 = arith.addf %add3A_272, %gather3A_279 : vector<16xf32>
      %xor3A_281 = arith.constant 2 : i32
      %xor3A_282 = vector.broadcast %xor3A_281 : i32 to vector<16xi32>
      %xor3A_283 = arith.xori %xor3A_282, %iota3A : vector<16xi32>
      %add3A_284 = arith.addi %mul3A_262, %xor3A_283 : vector<16xi32>
      %gather3A_285 = tpu.vector_load_idx %arg9[%add3A_284] : memref<16384xf32, #tpu.memory_space<vmem>>[vector<16xi32>], vector<16xf32>,
      %add3A_286 = arith.addf %add3A_278, %gather3A_285 : vector<16xf32>
      %gather3A_287 = tpu.vector_load_idx %arg10[%add3A_284] : memref<16384xf32, #tpu.memory_space<vmem>>[vector<16xi32>], vector<16xf32>,
      %add3A_288 = arith.addf %add3A_280, %gather3A_287 : vector<16xf32>
      %xor3A_289 = arith.constant 3 : i32
      %xor3A_290 = vector.broadcast %xor3A_289 : i32 to vector<16xi32>
      %xor3A_291 = arith.xori %xor3A_290, %iota3A : vector<16xi32>
      %add3A_292 = arith.addi %mul3A_262, %xor3A_291 : vector<16xi32>
      %gather3A_293 = tpu.vector_load_idx %arg9[%add3A_292] : memref<16384xf32, #tpu.memory_space<vmem>>[vector<16xi32>], vector<16xf32>,
      %add3A_294 = arith.addf %add3A_286, %gather3A_293 : vector<16xf32>
      %gather3A_295 = tpu.vector_load_idx %arg10[%add3A_292] : memref<16384xf32, #tpu.memory_space<vmem>>[vector<16xi32>], vector<16xf32>,
      %add3A_296 = arith.addf %add3A_288, %gather3A_295 : vector<16xf32>
      %xor3A_297 = arith.constant 4 : i32
      %xor3A_298 = vector.broadcast %xor3A_297 : i32 to vector<16xi32>
      %xor3A_299 = arith.xori %xor3A_298, %iota3A : vector<16xi32>
      %add3A_300 = arith.addi %mul3A_262, %xor3A_299 : vector<16xi32>
      %gather3A_301 = tpu.vector_load_idx %arg9[%add3A_300] : memref<16384xf32, #tpu.memory_space<vmem>>[vector<16xi32>], vector<16xf32>,
      %add3A_302 = arith.addf %add3A_294, %gather3A_301 : vector<16xf32>
      %gather3A_303 = tpu.vector_load_idx %arg10[%add3A_300] : memref<16384xf32, #tpu.memory_space<vmem>>[vector<16xi32>], vector<16xf32>,
      %add3A_304 = arith.addf %add3A_296, %gather3A_303 : vector<16xf32>
      %xor3A_305 = arith.constant 5 : i32
      %xor3A_306 = vector.broadcast %xor3A_305 : i32 to vector<16xi32>
      %xor3A_307 = arith.xori %xor3A_306, %iota3A : vector<16xi32>
      %add3A_308 = arith.addi %mul3A_262, %xor3A_307 : vector<16xi32>
      %gather3A_309 = tpu.vector_load_idx %arg9[%add3A_308] : memref<16384xf32, #tpu.memory_space<vmem>>[vector<16xi32>], vector<16xf32>,
      %add3A_310 = arith.addf %add3A_302, %gather3A_309 : vector<16xf32>
      %gather3A_311 = tpu.vector_load_idx %arg10[%add3A_308] : memref<16384xf32, #tpu.memory_space<vmem>>[vector<16xi32>], vector<16xf32>,
      %add3A_312 = arith.addf %add3A_304, %gather3A_311 : vector<16xf32>
      %xor3A_313 = arith.constant 6 : i32
      %xor3A_314 = vector.broadcast %xor3A_313 : i32 to vector<16xi32>
      %xor3A_315 = arith.xori %xor3A_314, %iota3A : vector<16xi32>
      %add3A_316 = arith.addi %mul3A_262, %xor3A_315 : vector<16xi32>
      %gather3A_317 = tpu.vector_load_idx %arg9[%add3A_316] : memref<16384xf32, #tpu.memory_space<vmem>>[vector<16xi32>], vector<16xf32>,
      %add3A_318 = arith.addf %add3A_310, %gather3A_317 : vector<16xf32>
      %gather3A_319 = tpu.vector_load_idx %arg10[%add3A_316] : memref<16384xf32, #tpu.memory_space<vmem>>[vector<16xi32>], vector<16xf32>,
      %add3A_320 = arith.addf %add3A_312, %gather3A_319 : vector<16xf32>
      %xor3A_321 = arith.constant 7 : i32
      %xor3A_322 = vector.broadcast %xor3A_321 : i32 to vector<16xi32>
      %xor3A_323 = arith.xori %xor3A_322, %iota3A : vector<16xi32>
      %add3A_324 = arith.addi %mul3A_262, %xor3A_323 : vector<16xi32>
      %gather3A_325 = tpu.vector_load_idx %arg9[%add3A_324] : memref<16384xf32, #tpu.memory_space<vmem>>[vector<16xi32>], vector<16xf32>,
      %add3A_326 = arith.addf %add3A_318, %gather3A_325 : vector<16xf32>
      %gather3A_327 = tpu.vector_load_idx %arg10[%add3A_324] : memref<16384xf32, #tpu.memory_space<vmem>>[vector<16xi32>], vector<16xf32>,
      %add3A_328 = arith.addf %add3A_320, %gather3A_327 : vector<16xf32>
      %xor3A_329 = arith.constant 8 : i32
      %xor3A_330 = vector.broadcast %xor3A_329 : i32 to vector<16xi32>
      %xor3A_331 = arith.xori %xor3A_330, %iota3A : vector<16xi32>
      %add3A_332 = arith.addi %mul3A_262, %xor3A_331 : vector<16xi32>
      %gather3A_333 = tpu.vector_load_idx %arg9[%add3A_332] : memref<16384xf32, #tpu.memory_space<vmem>>[vector<16xi32>], vector<16xf32>,
      %add3A_334 = arith.addf %add3A_326, %gather3A_333 : vector<16xf32>
      %gather3A_335 = tpu.vector_load_idx %arg10[%add3A_332] : memref<16384xf32, #tpu.memory_space<vmem>>[vector<16xi32>], vector<16xf32>,
      %add3A_336 = arith.addf %add3A_328, %gather3A_335 : vector<16xf32>
      %xor3A_337 = arith.constant 9 : i32
      %xor3A_338 = vector.broadcast %xor3A_337 : i32 to vector<16xi32>
      %xor3A_339 = arith.xori %xor3A_338, %iota3A : vector<16xi32>
      %add3A_340 = arith.addi %mul3A_262, %xor3A_339 : vector<16xi32>
      %gather3A_341 = tpu.vector_load_idx %arg9[%add3A_340] : memref<16384xf32, #tpu.memory_space<vmem>>[vector<16xi32>], vector<16xf32>,
      %add3A_342 = arith.addf %add3A_334, %gather3A_341 : vector<16xf32>
      %gather3A_343 = tpu.vector_load_idx %arg10[%add3A_340] : memref<16384xf32, #tpu.memory_space<vmem>>[vector<16xi32>], vector<16xf32>,
      %add3A_344 = arith.addf %add3A_336, %gather3A_343 : vector<16xf32>
      %xor3A_345 = arith.constant 10 : i32
      %xor3A_346 = vector.broadcast %xor3A_345 : i32 to vector<16xi32>
      %xor3A_347 = arith.xori %xor3A_346, %iota3A : vector<16xi32>
      %add3A_348 = arith.addi %mul3A_262, %xor3A_347 : vector<16xi32>
      %gather3A_349 = tpu.vector_load_idx %arg9[%add3A_348] : memref<16384xf32, #tpu.memory_space<vmem>>[vector<16xi32>], vector<16xf32>,
      %add3A_350 = arith.addf %add3A_342, %gather3A_349 : vector<16xf32>
      %gather3A_351 = tpu.vector_load_idx %arg10[%add3A_348] : memref<16384xf32, #tpu.memory_space<vmem>>[vector<16xi32>], vector<16xf32>,
      %add3A_352 = arith.addf %add3A_344, %gather3A_351 : vector<16xf32>
      %xor3A_353 = arith.constant 11 : i32
      %xor3A_354 = vector.broadcast %xor3A_353 : i32 to vector<16xi32>
      %xor3A_355 = arith.xori %xor3A_354, %iota3A : vector<16xi32>
      %add3A_356 = arith.addi %mul3A_262, %xor3A_355 : vector<16xi32>
      %gather3A_357 = tpu.vector_load_idx %arg9[%add3A_356] : memref<16384xf32, #tpu.memory_space<vmem>>[vector<16xi32>], vector<16xf32>,
      %add3A_358 = arith.addf %add3A_350, %gather3A_357 : vector<16xf32>
      %gather3A_359 = tpu.vector_load_idx %arg10[%add3A_356] : memref<16384xf32, #tpu.memory_space<vmem>>[vector<16xi32>], vector<16xf32>,
      %add3A_360 = arith.addf %add3A_352, %gather3A_359 : vector<16xf32>
      %xor3A_361 = arith.constant 12 : i32
      %xor3A_362 = vector.broadcast %xor3A_361 : i32 to vector<16xi32>
      %xor3A_363 = arith.xori %xor3A_362, %iota3A : vector<16xi32>
      %add3A_364 = arith.addi %mul3A_262, %xor3A_363 : vector<16xi32>
      %gather3A_365 = tpu.vector_load_idx %arg9[%add3A_364] : memref<16384xf32, #tpu.memory_space<vmem>>[vector<16xi32>], vector<16xf32>,
      %add3A_366 = arith.addf %add3A_358, %gather3A_365 : vector<16xf32>
      %gather3A_367 = tpu.vector_load_idx %arg10[%add3A_364] : memref<16384xf32, #tpu.memory_space<vmem>>[vector<16xi32>], vector<16xf32>,
      %add3A_368 = arith.addf %add3A_360, %gather3A_367 : vector<16xf32>
      %xor3A_369 = arith.constant 13 : i32
      %xor3A_370 = vector.broadcast %xor3A_369 : i32 to vector<16xi32>
      %xor3A_371 = arith.xori %xor3A_370, %iota3A : vector<16xi32>
      %add3A_372 = arith.addi %mul3A_262, %xor3A_371 : vector<16xi32>
      %gather3A_373 = tpu.vector_load_idx %arg9[%add3A_372] : memref<16384xf32, #tpu.memory_space<vmem>>[vector<16xi32>], vector<16xf32>,
      %add3A_374 = arith.addf %add3A_366, %gather3A_373 : vector<16xf32>
      %gather3A_375 = tpu.vector_load_idx %arg10[%add3A_372] : memref<16384xf32, #tpu.memory_space<vmem>>[vector<16xi32>], vector<16xf32>,
      %add3A_376 = arith.addf %add3A_368, %gather3A_375 : vector<16xf32>
      %xor3A_377 = arith.constant 14 : i32
      %xor3A_378 = vector.broadcast %xor3A_377 : i32 to vector<16xi32>
      %xor3A_379 = arith.xori %xor3A_378, %iota3A : vector<16xi32>
      %add3A_380 = arith.addi %mul3A_262, %xor3A_379 : vector<16xi32>
      %gather3A_381 = tpu.vector_load_idx %arg9[%add3A_380] : memref<16384xf32, #tpu.memory_space<vmem>>[vector<16xi32>], vector<16xf32>,
      %add3A_382 = arith.addf %add3A_374, %gather3A_381 : vector<16xf32>
      %gather3A_383 = tpu.vector_load_idx %arg10[%add3A_380] : memref<16384xf32, #tpu.memory_space<vmem>>[vector<16xi32>], vector<16xf32>,
      %add3A_384 = arith.addf %add3A_376, %gather3A_383 : vector<16xf32>
      %xor3A_385 = arith.constant 15 : i32
      %xor3A_386 = vector.broadcast %xor3A_385 : i32 to vector<16xi32>
      %xor3A_387 = arith.xori %xor3A_386, %iota3A : vector<16xi32>
      %add3A_388 = arith.addi %mul3A_262, %xor3A_387 : vector<16xi32>
      %gather3A_389 = tpu.vector_load_idx %arg9[%add3A_388] : memref<16384xf32, #tpu.memory_space<vmem>>[vector<16xi32>], vector<16xf32>,
      %add3A_390 = arith.addf %add3A_382, %gather3A_389 : vector<16xf32>
      %gather3A_391 = tpu.vector_load_idx %arg10[%add3A_388] : memref<16384xf32, #tpu.memory_space<vmem>>[vector<16xi32>], vector<16xf32>,
      %add3A_392 = arith.addf %add3A_384, %gather3A_391 : vector<16xf32>
      %mul3A_393 = arith.constant 16 : i32
      %mul3A_394 = arith.muli %scan3A_254, %mul3A_393 : i32
      %swap3A = arith.index_cast %mul3A_394 : i32 to index
      %swap3A_395 = tpu.vector_load %arg11[%swap3A] {strides = array<i32>} : memref<2048xf32, #tpu.memory_space<vmem>>, vector<16xf32>,
      tpu.vector_store %arg11[%swap3A], %add3A_390 {strides = array<i32>} : memref<2048xf32, #tpu.memory_space<vmem>>, vector<16xf32>,
      %mul3A_396 = arith.constant 16 : i32
      %mul3A_397 = arith.muli %scan3A_254, %mul3A_396 : i32
      %add3A_398 = arith.constant 1024 : i32
      %add3A_399 = arith.addi %add3A_398, %mul3A_397 : i32
      %swap3A_400 = arith.index_cast %add3A_399 : i32 to index
      %swap3A_401 = tpu.vector_load %arg11[%swap3A_400] {strides = array<i32>} : memref<2048xf32, #tpu.memory_space<vmem>>, vector<16xf32>,
      tpu.vector_store %arg11[%swap3A_400], %add3A_392 {strides = array<i32>} : memref<2048xf32, #tpu.memory_space<vmem>>, vector<16xf32>,
      %scan3A_402 = arith.constant 0 : i32
      scf.yield %scan3A_402 : i32
    }
    %scan3A_253 = arith.constant 64 : i32
    "tpu.region"() ({
      %run_scoped3A = tpu.sem_alloc : memref<!tpu.dma_semaphore, #tpu.memory_space<semaphore_mem>>
      %dma_start3A_254 = arith.constant 0 : i32
      %dma_start3A_255 = tpu.memref_slice %arg4[%add3A, %dma_start3A_254] : memref<32x2048xf32, #tpu.memory_space<hbm>> -> memref<1x2048xf32, #tpu.memory_space<hbm>>
      %dma_start3A_256 = tpu.memref_squeeze %dma_start3A_255 : memref<1x2048xf32, #tpu.memory_space<hbm>> -> memref<2048xf32, #tpu.memory_space<hbm>>
      %dma_start3A_257 = arith.constant 0 : i32
      %dma_start3A_258 = tpu.memref_slice %arg4[%add3A, %dma_start3A_257] : memref<32x2048xf32, #tpu.memory_space<hbm>> -> memref<1x2048xf32, #tpu.memory_space<hbm>>
      %dma_start3A_259 = tpu.memref_squeeze %dma_start3A_258 : memref<1x2048xf32, #tpu.memory_space<hbm>> -> memref<2048xf32, #tpu.memory_space<hbm>>
      tpu.enqueue_dma source(%arg11 : memref<2048xf32, #tpu.memory_space<vmem>>) target(%dma_start3A_259 : memref<2048xf32, #tpu.memory_space<hbm>>) target_semaphore(%run_scoped3A : memref<!tpu.dma_semaphore, #tpu.memory_space<semaphore_mem>>)
      %dma_wait3A_260 = arith.constant 0 : i32
      %dma_wait3A_261 = tpu.memref_slice %arg4[%add3A, %dma_wait3A_260] : memref<32x2048xf32, #tpu.memory_space<hbm>> -> memref<1x2048xf32, #tpu.memory_space<hbm>>
      %dma_wait3A_262 = tpu.memref_squeeze %dma_wait3A_261 : memref<1x2048xf32, #tpu.memory_space<hbm>> -> memref<2048xf32, #tpu.memory_space<hbm>>
      %dma_wait3A_263 = arith.constant 0 : i32
      %dma_wait3A_264 = tpu.memref_slice %arg4[%add3A, %dma_wait3A_263] : memref<32x2048xf32, #tpu.memory_space<hbm>> -> memref<1x2048xf32, #tpu.memory_space<hbm>>
      %dma_wait3A_265 = tpu.memref_squeeze %dma_wait3A_264 : memref<1x2048xf32, #tpu.memory_space<hbm>> -> memref<2048xf32, #tpu.memory_space<hbm>>
      tpu.wait_dma2 semaphore(%run_scoped3A : memref<!tpu.dma_semaphore, #tpu.memory_space<semaphore_mem>>) src(%arg11 : memref<2048xf32, #tpu.memory_space<vmem>>) dst(%dma_wait3A_265 : memref<2048xf32, #tpu.memory_space<hbm>>)
      tpu.yield
    }) : () -> ()
    return
  }
}

module attributes {stable_mosaic.version = 14 : i64} {
  func.func @_finish_body(%arg0: memref<32x2048xf32, #tpu.memory_space<vmem>>, %arg1: memref<1x1024xf32, #tpu.memory_space<vmem>>, %arg2: memref<1x1xf32, #tpu.memory_space<smem>>) attributes {dimension_semantics = [], scalar_prefetch = 0 : i64, scratch_operands = 0 : i64, tpu.core_type = #tpu.core_type<tc>} {
    %get3A = arith.constant 0 : index
    %get3A_0 = arith.constant 0 : index
    %get3A_1 = vector.load %arg0[%get3A, %get3A_0] : memref<32x2048xf32, #tpu.memory_space<vmem>>, vector<32x1024xf32>
    %reduce_sum3A = arith.constant dense<0.000000e+00> : vector<1024xf32>
    %reduce_sum3A_2 = vector.multi_reduction <add>, %get3A_1, %reduce_sum3A [0] : vector<32x1024xf32> to vector<1024xf32>
    %broadcast_in_dim3A = vector.shape_cast %reduce_sum3A_2 : vector<1024xf32> to vector<1x1024xf32>
    %get3A_3 = arith.constant 0 : index
    %get3A_4 = arith.constant 1024 : index
    %get3A_5 = vector.load %arg0[%get3A_3, %get3A_4] : memref<32x2048xf32, #tpu.memory_space<vmem>>, vector<32x1024xf32>
    %reduce_sum3A_6 = arith.constant dense<0.000000e+00> : vector<1024xf32>
    %reduce_sum3A_7 = vector.multi_reduction <add>, %get3A_5, %reduce_sum3A_6 [0] : vector<32x1024xf32> to vector<1024xf32>
    %broadcast_in_dim3A_8 = vector.shape_cast %reduce_sum3A_7 : vector<1024xf32> to vector<1x1024xf32>
    %get3A_9 = arith.constant 0 : index
    %get3A_10 = arith.constant 0 : index
    %get3A_11 = vector.load %arg1[%get3A_9, %get3A_10] : memref<1x1024xf32, #tpu.memory_space<vmem>>, vector<1x1024xf32>
    %reduce_max3A = vector.shape_cast %get3A_11 : vector<1x1024xf32> to vector<1x1x1024xf32>
    %reduce_max3A_12 = arith.constant dense<0xFF800000> : vector<1xf32>
    %reduce_max3A_13 = vector.multi_reduction <maximumf>, %reduce_max3A, %reduce_max3A_12 [1, 2] : vector<1x1x1024xf32> to vector<1xf32>
    %reduce_max3A_14 = vector.shape_cast %reduce_max3A_13 : vector<1xf32> to vector<1x1x1xf32>
    %reduce_max3A_15 = vector.extract %reduce_max3A_14[0, 0, 0] : f32 from vector<1x1x1xf32>
    %sub3A = vector.broadcast %reduce_max3A_15 : f32 to vector<1x1024xf32>
    %sub3A_16 = arith.subf %get3A_11, %sub3A : vector<1x1024xf32>
    %exp3A = math.exp %sub3A_16 : vector<1x1024xf32>
    %mul3A = arith.mulf %exp3A, %broadcast_in_dim3A_8 : vector<1x1024xf32>
    %max3A = arith.constant 1.000000e+00 : f32
    %max3A_17 = vector.broadcast %max3A : f32 to vector<1x1024xf32>
    %max3A_18 = arith.maximumf %broadcast_in_dim3A, %max3A_17 : vector<1x1024xf32>
    %div3A = arith.divf %mul3A, %max3A_18 : vector<1x1024xf32>
    %reduce_sum3A_19 = vector.shape_cast %div3A : vector<1x1024xf32> to vector<1x1x1024xf32>
    %reduce_sum3A_20 = arith.constant dense<0.000000e+00> : vector<1xf32>
    %reduce_sum3A_21 = vector.multi_reduction <add>, %reduce_sum3A_19, %reduce_sum3A_20 [1, 2] : vector<1x1x1024xf32> to vector<1xf32>
    %reduce_sum3A_22 = vector.shape_cast %reduce_sum3A_21 : vector<1xf32> to vector<1x1x1xf32>
    %reduce_sum3A_23 = vector.extract %reduce_sum3A_22[0, 0, 0] : f32 from vector<1x1x1xf32>
    %reduce_sum3A_24 = vector.shape_cast %exp3A : vector<1x1024xf32> to vector<1x1x1024xf32>
    %reduce_sum3A_25 = arith.constant dense<0.000000e+00> : vector<1xf32>
    %reduce_sum3A_26 = vector.multi_reduction <add>, %reduce_sum3A_24, %reduce_sum3A_25 [1, 2] : vector<1x1x1024xf32> to vector<1xf32>
    %reduce_sum3A_27 = vector.shape_cast %reduce_sum3A_26 : vector<1xf32> to vector<1x1x1xf32>
    %reduce_sum3A_28 = vector.extract %reduce_sum3A_27[0, 0, 0] : f32 from vector<1x1x1xf32>
    %div3A_29 = arith.divf %reduce_sum3A_23, %reduce_sum3A_28 : f32
    %swap3A = arith.constant 0 : index
    %swap3A_30 = arith.constant 0 : index
    %swap3A_31 = memref.load %arg2[%swap3A, %swap3A_30] : memref<1x1xf32, #tpu.memory_space<smem>>
    memref.store %div3A_29, %arg2[%swap3A, %swap3A_30] : memref<1x1xf32, #tpu.memory_space<smem>>
    return
  }
}

</mosaic_0001>

<sc_bundles>
// kernel: kernel.4.cloned.1.call-start
scs
__scs_entry_jumppad:
0x0: {  	(pc) =	sbr.rel $0x88, $3  }
0x1: {  	(tag) =	ssettag $0x0;
	lr =	simm.s32 $0x1  }
0x2: {  	[smem:$0x3F9E] =	sst lr;
	_ =	strace $0xD0000000  }
0x3: {  	_ = 	snop  }
0x4: {  	_ = 	snop  }
0x5: {  	_ = 	snop  }
0x6: {  	_ = 	snop  }
0x7: {  	_ = 	snop  }
__scs_overlays_trampoline_lowered:
0x8: {  	[smem:$0x3FAD] =	sst s0  }
0x9: {  	[smem:$0x3FAE] =	sst s1  }
0xa: {  	[smem:$0x3FAF] =	sst s2  }
0xb: {  	[smem:$0x3FB0] =	sst s3  }
0xc: {  	[smem:$0x3FB1] =	sst s4  }
0xd: {  	[smem:$0x3FB2] =	sst s5  }
0xe: {  	[smem:$0x3FB3] =	sst s6  }
0xf: {  	[smem:$0x3FB4] =	sst s7  }
0x10: {  	[smem:$0x3FB5] =	sst s8  }
0x11: {  	[smem:$0x3FB6] =	sst s9;
	s0 =	simm.s32 @!p0 $0x0  }
0x12: {  	s1 =	sld [smem:$0x3F9C];
	s0 =	simm.s32 @p0 $0x1  }
0x13: {  	[smem:$0x3FB7] =	sst s0;
	s0 =	simm.s32 @!p1 $0x0  }
0x14: {  	s2 =	sld [smem:$0x3F9B];
	s0 =	simm.s32 @p1 $0x1  }
0x15: {  	[smem:$0x3FB8] =	sst s0;
	s0 =	simm.s32 @!p2 $0x0  }
0x16: {  	s3 =	sld [smem:$0x3FDB];
	s0 =	simm.s32 @p2 $0x1  }
0x17: {  	s4 =	simm.s32 $0x1BF5;
	[smem:$0x3FBA] =	sst s0  }
0x18: {  	s0 =	sld [smem:$0x3F9D];
	_ =	swait.ge [sflag:s4], $0x0  }
0x19: {  	s7 =	sld [smem:$0x3F9E]  }
0x1a: {  	s8 =	sadd.s32 $0xFFFFE003, lr  }
0x1b: {  	s9 =	sadd.s32 $0xFFFFFEF7, lr;
	s5 =	simm.s32 $0xFFFFFFFF;
	p2 =	slt.u32 s8, $0xFFFFF086  }
0x1c: {  	p1 =	slt.u32 s9, $0xF7A;
	s5 =	simm.s32 @!p2 $0x0  }
0x1d: {  	s5 =	simm.s32 @p1 $0x1;
	p0 =	seq.s32 s7, s2  }
0x1e: {  	s7 =	smul.u32 @!p0 $0xF7A, s2;
	p2 =	seq.s32 @!p0 s5, $0x0  }
0x1f: {  	s9 =	smul.u32 $0xF7A, s1;
	s8 =	simm.s32 @!p0 $0x1BF5;
	p2 =	por !p2, p0  }
0x20: {  	[sflag:s8] =	ssyncset.s32 @!p0 $0xFFFFF086;
	s6 =	sadd.s32 @!p0 s3, s7;
	s7 =	simm.s32 @!p0 $0x108  }
0x21: {  	s3 =	sadd.s32 s3, s9;
	s6 =	sadd.s32 @!p0 $0x88, s6;
	s7 =	simm.s32 @p2 $0x1082  }
0x22: {  	[simem:s7], [sflag:s8] =	dma.local @!p0 [hbm:s6], $0xF7A  }
0x23: {  	s9 =	sor.u32 $0xD0000000, s2;
	s6 =	simm.s32 $0x108;
	_ =	swait.ge @!p0 [sflag:s8], $0x0  }
0x24: {  	s3 =	sadd.s32 $0x88, s3;
	s6 =	simm.s32 @!p1 $0x1082;
	[sflag:s4] =	ssyncset.s32 $0xFFFFF086  }
0x25: {  	[simem:s6], [sflag:s4] =	dma.local [hbm:s3], $0xF7A  }
0x26: {  	[smem:$0x3F9E] =	sst s1;
	(tag) =	ssettag s2;
	_ =	strace s9  }
0x27: {  	s1 =	sld [smem:$0x3FAE]  }
0x28: {  	s2 =	sld [smem:$0x3FAF]  }
0x29: {  	s4 =	sld [smem:$0x3FB1]  }
0x2a: {  	p0 =	seq.s32 s5, $0x0;
	s5 =	sld [smem:$0x3FB2]  }
0x2b: {  	s6 =	sld [smem:$0x3FB3]  }
0x2c: {  	s7 =	sld [smem:$0x3FB4]  }
0x2d: {  	s3 =	simm.s32 $0x108;
	s8 =	sld [smem:$0x3FB5]  }
0x2e: {  	s3 =	simm.s32 @!p0 $0x1082;
	s9 =	sld [smem:$0x3FB6]  }
0x2f: {  	lr =	sadd.s32 s0, s3;
	s0 =	sld [smem:$0x3FAD]  }
0x30: {  	s3 =	sld [smem:$0x3FB0]  }
0x31: {  	[smem:$0x3FB9] =	sst s10  }
0x32: {  	s10 =	sld [smem:$0x3FB7];
	_ =	sdelay $0x3  }
0x33: {  	p0 =	seq.s32 s10, $0x1;
	s10 =	sld [smem:$0x3FB9];
	_ =	sdelay $0x3  }
0x34: {  	[smem:$0x3FB9] =	sst s10  }
0x35: {  	s10 =	sld [smem:$0x3FB8];
	_ =	sdelay $0x3  }
0x36: {  	p1 =	seq.s32 s10, $0x1;
	s10 =	sld [smem:$0x3FB9];
	_ =	sdelay $0x3  }
0x37: {  	[smem:$0x3FB9] =	sst s10  }
0x38: {  	s10 =	sld [smem:$0x3FBA]  }
0x39: {  	_ = 	snop;
	(pc) =	sbr.ind lr, $3  }
0x3a: {  	_ = 	snop  }
0x3b: {  	_ = 	snop  }
0x3c: {  	p2 =	seq.s32 s10, $0x1;
	s10 =	sld [smem:$0x3FB9]  }
0x3d: {  	_ =	shalt  }
0x3e: {  	_ =	shalt  }
0x3f: {  	_ =	shalt  }
0x40: {  	_ =	shalt  }
0x41: {  	_ =	shalt  }
0x42: {  	_ =	shalt  }
0x43: {  	_ =	shalt  }
0x44: {  	_ =	shalt  }
0x45: {  	_ =	shalt  }
0x46: {  	_ =	shalt  }
0x47: {  	_ =	shalt  }
0x48: {  	_ =	shalt  }
0x49: {  	_ =	shalt  }
0x4a: {  	_ =	shalt  }
0x4b: {  	_ =	shalt  }
0x4c: {  	_ =	shalt  }
0x4d: {  	_ =	shalt  }
0x4e: {  	_ =	shalt  }
0x4f: {  	_ =	shalt  }
0x50: {  	_ =	shalt  }
0x51: {  	_ =	shalt  }
0x52: {  	_ =	shalt  }
0x53: {  	_ =	shalt  }
0x54: {  	_ =	shalt  }
0x55: {  	_ =	shalt  }
0x56: {  	_ =	shalt  }
0x57: {  	_ =	shalt  }
0x58: {  	_ =	shalt  }
0x59: {  	_ =	shalt  }
0x5a: {  	_ =	shalt  }
0x5b: {  	_ =	shalt  }
0x5c: {  	_ =	shalt  }
0x5d: {  	_ =	shalt  }
0x5e: {  	_ =	shalt  }
0x5f: {  	_ =	shalt  }
0x60: {  	_ =	shalt  }
0x61: {  	_ =	shalt  }
0x62: {  	_ =	shalt  }
0x63: {  	_ =	shalt  }
0x64: {  	_ =	shalt  }
0x65: {  	_ =	shalt  }
0x66: {  	_ =	shalt  }
0x67: {  	_ =	shalt  }
0x68: {  	_ =	shalt  }
0x69: {  	_ =	shalt  }
0x6a: {  	_ =	shalt  }
0x6b: {  	_ =	shalt  }
0x6c: {  	_ =	shalt  }
0x6d: {  	_ =	shalt  }
0x6e: {  	_ =	shalt  }
0x6f: {  	_ =	shalt  }
0x70: {  	_ =	shalt  }
0x71: {  	_ =	shalt  }
0x72: {  	_ =	shalt  }
0x73: {  	_ =	shalt  }
0x74: {  	_ =	shalt  }
0x75: {  	_ =	shalt  }
0x76: {  	_ =	shalt  }
0x77: {  	_ =	shalt  }
0x78: {  	_ =	shalt  }
0x79: {  	_ =	shalt  }
0x7a: {  	_ =	shalt  }
0x7b: {  	_ =	shalt  }
0x7c: {  	_ =	shalt  }
0x7d: {  	_ =	shalt  }
0x7e: {  	_ =	shalt  }
0x7f: {  	_ =	shalt  }
0x80: {  	_ =	shalt  }
0x81: {  	_ =	shalt  }
0x82: {  	_ =	shalt  }
0x83: {  	_ =	shalt  }
0x84: {  	_ =	shalt  }
0x85: {  	_ =	shalt  }
0x86: {  	_ =	shalt  }
0x87: {  	_ =	shalt  }
.Lfunc_end0:
.L_simem_size_0:
called_computation_lowered:
.L_overlay_start_0:
0x88: {  	s2 =	sld [smem:$0x3FD9]  }
0x89: {  	s3 =	sld [smem:$0x3FFE];
	_ =	sdelay $0x1  }
0x8a: {  	s1 =	srdreg.scid  }
0x8b: {  	s0 =	sand.u32 $0x1, s1  }
0x8c: {  	s17 =	sshll.u32 s0, $0xA;
	s2 =	sadd.s32 s3, s2  }
0x8d: {  	s2 =	sadd.s32 s2, s17  }
0x8e: {  	[smem:$0x3FC5] =	sst s2  }
0x8f: {  	_ = 	snop  }
0x90: {  	s2 =	sld [smem:$0x3FC9]  }
0x91: {  	s18 =	sld [smem:$0x3FC8];
	(tm) =	ssettm $0x1  }
0x92: {  	s4 =	sld [smem:$0x3FFB];
	_ =	sdelay $0x3  }
0x93: {  	_ =	strace s4  }
0x94: {  	s4 =	sld [smem:$0x3FFC];
	_ =	sdelay $0x3  }
0x95: {  	_ =	strace s4  }
0x96: {  	s4 =	sld [smem:$0x3FFD];
	_ =	sdelay $0x3  }
0x97: {  	_ =	strace s4  }
0x98: {  	_ =	strace $0x8FFFFFFF  }
0x99: {  	s19 =	sld [smem:$0x3FDB];
	_ =	sdelay $0x1  }
0x9a: {  	s5 =	simm.s32 $_scs_section_size  }
0x9b: {  	s6 =	simm.s32 $_size__tile_overlayer_lowered;
	s7 =	simm.s32 $_tile_overlayer_lowered  }
0x9c: {  	s22 =	simm.s32 $0x1BFF;
	s21 =	sshll.u32 s7, $0x1;
	s4 =	sadd.s32 s5, s19  }
0x9d: {  	s8 =	simm.s32 $0x0;
	s20 =	sshll.u32 s6, $0x1;
	s6 =	sadd.s32 s21, s4  }
0x9e: {  	[timem:s8], [sflag:s22] =	dma.local [hbm:s6], s20  }
0x9f: {  	_ =	swait.ge [sflag:s22], s20  }
0xa0: {  	s5 =	ssub.s32 $0x0, s20;
	[sflag:s22] =	ssyncset.done $0x0  }
0xa1: {  	[sflag:s22] =	ssyncadd.s32 s5;
	_ =	sdelay $0x1  }
0xa2: {  	s23 =	simm.s32 $0x1B8B  }
0xa3: {  	_ =	swait.ge [sflag:s23], $0x1  }
0xa4: {  	[sflag:s23] =	ssyncset.done $0x0  }
0xa5: {  	s25 =	simm.s32 $0x1B8E;
	s24 =	sld [smem:$0x3FFE];
	[sflag:s23] =	ssyncadd.s32 $0xFFFFFFFF  }
0xa6: {  	s26 =	simm.s32 $execute0_lowered;
	[smem:$0x3FD2] =	sst s25  }
0xa7: {  	s6 =	sshll.u32 s26, $0x1;
	_ =	strace $0x80000046;
	[dreg:$0x1] =	wrdreg $0xFFFFFFFF  }
0xa8: {  	s28 =	simm.s32 $_size_execute0_lowered;
	s4 =	sadd.s32 s4, s6;
	[dreg:$0x0] =	wrdreg $0x0  }
0xa9: {  	s6 =	sshll.u32 s28, $0x1;
	[dreg:$0x2] =	wrdreg s4  }
0xaa: {  	[dreg:$0x3] =	wrdreg s6  }
0xab: {  	[dreg:$0x4] =	wrdreg $0xC0  }
0xac: {  	_ =	task [dreg:s8], $0x5FFFF  }
0xad: {  	[dreg:$0x1] =	wrdreg $0xFFFFFFFF  }
0xae: {  	[dreg:$0x0] =	wrdreg $0x60  }
0xaf: {  	[dreg:$0x2] =	wrdreg s2  }
0xb0: {  	[dreg:$0x3] =	wrdreg s18  }
0xb1: {  	[dreg:$0x4] =	wrdreg s24  }
0xb2: {  	[dreg:$0x5] =	wrdreg $0x9  }
0xb3: {  	_ =	task.clear_ibuf [dreg:s8], $0x6FFFF;
	_ =	strace $0x90000046  }
0xb4: {  	s29 =	simm.s32 $0x9;
	_ =	strace $0x80000048  }
0xb5: {  	_ =	swait.ge [sflag:s29], $0x1  }
0xb6: {  	[sflag:s29] =	ssyncadd.s32 $0xFFFFFFFF  }
0xb7: {  	_ =	strace $0x90000048  }
0xb8: {  	_ =	sfence  }
0xb9: {  	s30 =	sld [smem:$0x0];
	_ =	sdelay $0x2  }
0xba: {  	s31 =	sshll.u32 s1, $0xD;
	s1 =	sshrl.u32 s1, $0x2  }
0xbb: {  	s3 =	sand.u32 $0x4000, s31;
	s1 =	sadd.s32 s1, s30  }
0xbc: {  	s0 =	sor.u32 s3, s0;
	s1 =	sshll.u32 s1, $0x11  }
0xbd: {  	s0 =	sor.u32 s1, s0  }
0xbe: {  	s0 =	sadd.s32 $0x8F2B, s0  }
0xbf: {  	[sflag:s0] =	ssyncadd.remote.s32 $0x1  }
0xc0: {  	_ =	sfence.sel $0xFFFF  }
0xc1: {  	[dreg:$0x0] =	wrdreg $0xFFFFFFFF;
	(pc) =	sbr.abs _section_cstart, $3  }
0xc2: {  	[dreg:$0x1] =	wrdreg $0xFFFFFFFF  }
0xc3: {  	_ =	task.clear_ibuf [dreg:s8], $0x2FFFF;
	_ =	strace $0x9FFFFFFF  }
0xc4: {  	(tm) =	ssettm $0x7FFFFFFF  }
0xc5: {  	_ =	shalt  }
tec
execute0_lowered:
.L_overlay_start_1:
0x0: {  	(tag) =	ssettag $0x1  }
0x1: {  	s3 =	rddreg [dreg:$0x0]  }
0x2: {  	s2 =	rddreg [dreg:$0x1]  }
0x3: {  	s4 =	rddreg [dreg:$0x2];
	s0 =	srdreg.scid  }
0x4: {  	s6 =	stileid.u32;
	s1 =	simm.s32 $0x0;
	s5 =	sand.u32 $0x1, s0  }
0x5: {  	s12 =	sshll.u32 s6, $0x1;
	[smem:$0x7FF] =	sst s1;
	s6 =	sshll.u32 s6, $0x9  }
0x6: {  	v0 =	vimm.s32 $0xEFCDAB89;
	s0 =	sor.u32 s5, s12;
	s7 =	sand.u32 $0x1800, s6;
	s5 =	ssub.s32 $0x2, s5  }
0x7: {  	v4 =	vimm.s32 $0xCDEF89AB;
	v5 =	vimm.s32 $0x45670123;
	s6 =	sshll.u32 s0, $0xF;
	s4 =	sadd.s32 s7, s4;
	s13 =	sshrl.u32 s5, $0x1  }
0x8: {  	v7 =	vimm.s32 $0xBA98FEDC;
	v8 =	vimm.s32 $0x32107654;
	s8 =	sor.u32 $0x800, s6;
	s5 =	ssub.s32 s5, s13;
	s15 =	sor.u32 $0x1000, s6  }
0x9: {  	v9 =	vimm.s32 $0xAB89EFCD;
	v10 =	vimm.s32 $0x89ABCDEF;
	s17 =	sor.u32 $0x1800, s6;
	s19 =	sor.u32 $0x2000, s6;
	s14 =	sadd.s32 s2, s8  }
0xa: {  	v11 =	vimm.s32 $0x1234567;
	v1 =	vunpack.c.l.s4.s8 v0;
	v0 =	vimm.s32 $0x67452301;
	s21 =	sor.u32 $0x2800, s6;
	s8 =	sadd.s32 s3, s8;
	[dreg:$0x4] =	wrdreg s14  }
0xb: {  	v4 =	vunpack.c.l.s4.s8 v4;
	v5 =	vunpack.c.l.s4.s8 v5;
	v7 =	vunpack.c.l.s4.s8 v7;
	s23 =	sor.u32 $0x3000, s6;
	s16 =	sadd.s32 s2, s15;
	[dreg:$0x5] =	wrdreg s8  }
0xc: {  	v8 =	vunpack.c.l.s4.s8 v8;
	v9 =	vunpack.c.l.s4.s8 v9;
	v10 =	vunpack.c.l.s4.s8 v10;
	s25 =	sor.u32 $0x3800, s6;
	s7 =	sadd.s32 s3, s15;
	[dreg:$0x6] =	wrdreg s16  }
0xd: {  	v2 =	vunpack.c.l.s4.s8 v0;
	v0 =	vimm.f32 $0.0e+00;
	v12 =	vunpack.c.0.s8.s32 v1;
	s9 =	sor.u32 $0x4000, s6;
	s18 =	sadd.s32 s2, s17;
	[dreg:$0x7] =	wrdreg s7  }
0xe: {  	v1 =	vimm.s32 $0xDCFE98BA;
	v16 =	vunpack.c.0.s8.s32 v4;
	v17 =	vunpack.c.0.s8.s32 v5;
	s11 =	sor.u32 $0x4800, s6;
	s20 =	sadd.s32 s2, s19;
	[dreg:$0x8] =	wrdreg s18  }
0xf: {  	v18 =	vunpack.c.0.s8.s32 v7;
	v19 =	vunpack.c.0.s8.s32 v8;
	v7 =	vimm.s32 $0x23016745;
	s13 =	sor.u32 $0x5000, s6;
	s22 =	sadd.s32 s2, s21;
	[dreg:$0xa] =	wrdreg s20  }
0x10: {  	v20 =	vunpack.c.0.s8.s32 v9;
	v8 =	vimm.s32 $0x98BADCFE;
	v9 =	vimm.s32 $0x10325476;
	s29 =	sadd.s32 s2, s6;
	s24 =	sadd.s32 s2, s23;
	[dreg:$0xc] =	wrdreg s22  }
0x11: {  	v13 =	vunpack.c.0.s8.s32 v2;
	v2 =	vunpack.c.l.s4.s8 v1;
	v1 =	vimm.s32 $0x54761032;
	s30 =	sadd.s32 s3, s6;
	s26 =	sadd.s32 s2, s25;
	[dreg:$0xe] =	wrdreg s24  }
0x12: {  	v7 =	vunpack.c.l.s4.s8 v7;
	v8 =	vunpack.c.l.s4.s8 v8;
	v9 =	vunpack.c.l.s4.s8 v9;
	s10 =	sadd.s32 s2, s9;
	s12 =	sadd.s32 s2, s11;
	[dreg:$0x10] =	wrdreg s26  }
0x13: {  	v3 =	vunpack.c.l.s4.s8 v1;
	v1 =	vlaneseq.u32;
	s15 =	sor.u32 $0x6000, s6;
	s5 =	smax.u32 s5, $0x1;
	v6 =	vcombine.low v13, v12;
	[dreg:$0x12] =	wrdreg s10  }
0x14: {  	v14 =	vunpack.c.0.s8.s32 v2;
	v2 =	vimm.f32 $1.000000000e+00;
	s8 =	sadd.s32 s3, s17;
	s7 =	sadd.s32 s3, s19;
	[dreg:$0x14] =	wrdreg s12;
	v21 =	vunpack.c.0.s8.s32 v7  }
0x15: {  	s20 =	sadd.s32 s2, s13;
	s14 =	sor.u32 $0x5800, s6;
	v22 =	vunpack.c.0.s8.s32 v8;
	v23 =	vunpack.c.0.s8.s32 v9;
	v9 =	vimm.s32 $0xFEDCBA98;
	s24 =	sadd.s32 s2, s15  }
0x16: {  	v7 =	vunpack.c.l.s4.s8 v11;
	v8 =	vunpack.c.0.s8.s32 v10;
	s16 =	sor.u32 $0x6800, s6;
	v10 =	vimm.s32 $0x76543210;
	s17 =	sor.u32 $0x7000, s6;
	s6 =	sor.u32 $0x7800, s6  }
0x17: {  	v11 =	vcombine.low v19, v18;
	s18 =	sshll.u32 s0, $0x4;
	v12 =	vand.u32 $0xF, v12;
	s10 =	simm.s32 $0x10000;
	v15 =	vunpack.c.0.s8.s32 v3;
	[dreg:$0x9] =	wrdreg s8  }
0x18: {  	s12 =	simm.s32 $0x2;
	v3 =	vmul.u32 $0x10, v1;
	[dreg:$0xb] =	wrdreg s7;
	s8 =	sadd.s32 s3, s21;
	v9 =	vunpack.c.l.s4.s8 v9;
	v10 =	vunpack.c.l.s4.s8 v10  }
0x19: {  	s7 =	sadd.s32 s3, s23;
	s21 =	sadd.s32 s3, s13;
	s22 =	sadd.s32 s2, s14;
	v12 =	vcombine.low v12, v13;
	v4 =	vand.u32 $0xF, v6;
	v6 =	vcombine.low v17, v16  }
0x1a: {  	s23 =	sadd.s32 s3, s14;
	s26 =	sadd.s32 s2, s16;
	s28 =	sadd.s32 s3, s16;
	v7 =	vunpack.c.0.s8.s32 v7;
	v24 =	vcombine.low v21, v20;
	v26 =	vcombine.low v23, v22  }
0x1b: {  	s31 =	sadd.s32 s2, s17;
	s0 =	sadd.s32 s3, s17;
	s2 =	sadd.s32 s2, s6;
	v5 =	vcombine.low v15, v14;
	v27 =	vunpack.c.0.s8.s32 v9;
	v14 =	vand.u32 $0xF, v14  }
0x1c: {  	s19 =	sand.u32 $0x70, s18;
	s13 =	simm.s32 $0x3;
	[dreg:$0xd] =	wrdreg s8;
	v6 =	vand.u32 $0xF, v6;
	v25 =	vcombine.low v7, v8;
	v7 =	vand.u32 $0xF, v11  }
0x1d: {  	s14 =	simm.s32 $0x0;
	[dreg:$0xf] =	wrdreg s7;
	s8 =	sadd.s32 s3, s25;
	v8 =	vand.u32 $0xF, v24;
	v11 =	vunpack.c.0.s8.s32 v10;
	v9 =	vand.u32 $0xF, v26  }
0x1e: {  	s7 =	sadd.s32 s3, s9;
	s25 =	sadd.s32 s3, s15;
	[dreg:$0x11] =	wrdreg s8;
	v13 =	vcombine.low v14, v15;
	v14 =	vand.u32 $0xF, v16;
	v15 =	vand.u32 $0xF, v18  }
0x1f: {  	s4 =	sadd.s32 s19, s4;
	s9 =	simm.s32 $0x1;
	[dreg:$0x13] =	wrdreg s7;
	v18 =	vmul.u32 $0xFFFFFFFF, v1;
	v16 =	vand.u32 $0xF, v20;
	v5 =	vand.u32 $0xF, v5  }
0x20: {  	s8 =	sadd.s32 s3, s11;
	s3 =	sadd.s32 s3, s6;
	s4 =	sadd.s32 $0x800, s4;
	v63 =	vand.u32 $0xF, v27;
	v14 =	vcombine.low v14, v17;
	v15 =	vcombine.low v15, v19  }
0x21: {  	s6 =	simm.s32 $0x8000;
	s7 =	simm.s32 $0x4000;
	[dreg:$0x15] =	wrdreg s8;
	v17 =	vand.u32 $0xF, v22;
	v16 =	vcombine.low v16, v21;
	v10 =	vand.u32 $0xF, v25  }
0x22: {  	s11 =	simm.s32 $0x14000;
	s8 =	simm.s32 $0xC000;
	_ =	strace $0x80000047;
	v11 =	vcombine.low v63, v11;
	v17 =	vcombine.low v17, v23;
	v18 =	vadd.s32 $0xF, v18  }
.LBB2_1:
0x23: {  	[tilespmem:s1], [sflag:$0x1] =	stream.linear.gather [hbm4b:s29+s1], $0x4000, $0x38;
	[tilespmem:$0x18800] =	vst v63  }
0x24: {  	s15 =	simm.s32 $0x0;
	s16 =	simm.s32 $0x200  }
0x25: {  	[tilespmem:s6], [sflag:$0x1] =	stream.linear.gather [hbm4b:s30+s1], $0x4000, $0x38;
	[tilespmem:$0x18800] =	vst v63  }
.LBB2_2:
0x26: {  	p0 =	sne.s32 s16, $0xFE00;
	[tilespmem:s15+$0x14070] =	vst v0  }
0x27: {  	[tilespmem:s15+$0x10000] =	vst v0  }
0x28: {  	[tilespmem:s15+$0x14000] =	vst v0  }
0x29: {  	[tilespmem:s15+$0x10010] =	vst v0  }
0x2a: {  	[tilespmem:s15+$0x14010] =	vst v0  }
0x2b: {  	[tilespmem:s15+$0x10020] =	vst v0  }
0x2c: {  	[tilespmem:s15+$0x14020] =	vst v0  }
0x2d: {  	[tilespmem:s15+$0x10030] =	vst v0  }
0x2e: {  	[tilespmem:s15+$0x14030] =	vst v0  }
0x2f: {  	[tilespmem:s15+$0x10040] =	vst v0  }
0x30: {  	[tilespmem:s15+$0x14040] =	vst v0  }
.Ltmp0:
0x31: {  	[tilespmem:s15+$0x10050] =	vst v0;
	(pc) =	sbr.rel @p0 .LBB2_2-.Ltmp0, $4  }
0x32: {  	[tilespmem:s15+$0x14050] =	vst v0  }
0x33: {  	[tilespmem:s15+$0x10060] =	vst v0  }
0x34: {  	[tilespmem:s15+$0x14060] =	vst v0  }
0x35: {  	[tilespmem:s15+$0x10070] =	vst v0;
	s15 =	sshra.s32 s16, $0x2;
	s16 =	sadd.s32 $0x200, s16  }
0x36: {  	[tilespmem:s15+$0x14070] =	vst v0  }
0x37: {  	[tilespmem:s15+$0x10000] =	vst v0  }
0x38: {  	[tilespmem:s15+$0x14000] =	vst v0  }
0x39: {  	[tilespmem:s15+$0x10010] =	vst v0  }
0x3a: {  	[tilespmem:s15+$0x14010] =	vst v0  }
0x3b: {  	[tilespmem:s15+$0x10020] =	vst v0  }
0x3c: {  	[tilespmem:s15+$0x14020] =	vst v0  }
0x3d: {  	[tilespmem:s15+$0x10030] =	vst v0  }
0x3e: {  	[tilespmem:s15+$0x14030] =	vst v0  }
0x3f: {  	[tilespmem:s15+$0x10040] =	vst v0  }
0x40: {  	[tilespmem:s15+$0x14040] =	vst v0  }
0x41: {  	[tilespmem:s15+$0x10050] =	vst v0  }
0x42: {  	[tilespmem:s15+$0x14050] =	vst v0  }
0x43: {  	[tilespmem:s15+$0x10060] =	vst v0  }
0x44: {  	[tilespmem:s15+$0x14060] =	vst v0  }
0x45: {  	[tilespmem:s15+$0x10070] =	vst v0;
	s17 =	rddreg [dreg:$0x4]  }
0x46: {  	[tilespmem:s7], [sflag:$0x2] =	stream.linear.gather [hbm4b:s17+s1], $0x4000, $0x38;
	[tilespmem:$0x18800] =	vst v63  }
0x47: {  	s18 =	rddreg [dreg:$0x5]  }
0x48: {  	[tilespmem:s8], [sflag:$0x2] =	stream.linear.gather [hbm4b:s18+s1], $0x4000, $0x38;
	[tilespmem:$0x18800] =	vst v63  }
0x49: {  	_ =	swait.ge [sflag:s9], $0x4000  }
0x4a: {  	[sflag:s9] =	ssyncset.done $0x0  }
0x4b: {  	[sflag:s9] =	ssyncadd.s32 $0xFFFFC000  }
0x4c: {  	_ =	swait.ge [sflag:s9], $0x4000  }
0x4d: {  	[sflag:s9] =	ssyncset.done $0x0  }
0x4e: {  	s19 =	simm.s32 $0x10;
	[sflag:s9] =	ssyncadd.s32 $0xFFFFC000  }
0x4f: {  	v19 =	vld [tilespmem:s19+$0xFFFFFFF0]  }
0x50: {  	v20 =	vld [tilespmem:s19+$0x0];
	_ =	sdelay $0x3  }
0x51: {  	s15 =	simm.s32 $0x8010;
	v19 =	vshll.u32 v19, $0x4  }
0x52: {  	v22 =	vld [tilespmem:s15+$0xFFFFFFF0];
	v21 =	vshll.u32 v20, $0x4;
	v20 =	vor.u32 v1, v19  }
0x53: {  	s16 =	simm.s32 $0x0;
	s17 =	simm.s32 $0x30;
	v19 =	vld [tilespmem:s15+$0x0];
	v21 =	vor.u32 v1, v21  }
.LBB2_4:
0x54: {  	v23 =	vld [tilespmem:s17+$0xFFFFFFF0]  }
0x55: {  	s15 =	sadd.s32 $0x20, s15;
	s16 =	sadd.s32 $0x2, s16;
	v24 =	vld [tilespmem:s17+$0x0]  }
0x56: {  	p0 =	slt.u32 s16, $0x3FE;
	v25 =	vld [tilespmem:s15+$0xFFFFFFF0]  }
.Ltmp1:
0x57: {  	[tilespmem:v20+s10+$0x0] =	vst.idx.add.f32.msk $0xffff, v2;
	(pc) =	sbr.rel @p0 .LBB2_4-.Ltmp1, $4  }
0x58: {  	[tilespmem:v21+s10+$0x0] =	vst.idx.add.f32.msk $0xffff, v2  }
0x59: {  	v23 =	vshll.u32 v23, $0x4;
	[tilespmem:v20+s11+$0x0] =	vst.idx.add.f32.msk $0xffff, v22  }
0x5a: {  	v24 =	vshll.u32 v24, $0x4;
	v20 =	vor.u32 v1, v23;
	[tilespmem:v21+s11+$0x0] =	vst.idx.add.f32.msk $0xffff, v19  }
0x5b: {  	s17 =	sadd.s32 $0x20, s17;
	v19 =	vld [tilespmem:s15+$0x0];
	v21 =	vor.u32 v1, v24;
	v22 =	vmov v25  }
0x5c: {  	_ =	sdelay $0x3  }
0x5d: {  	[tilespmem:v20+s10+$0x0] =	vst.idx.add.f32.msk $0xffff, v2  }
0x5e: {  	[tilespmem:v21+s10+$0x0] =	vst.idx.add.f32.msk $0xffff, v2  }
0x5f: {  	[tilespmem:v20+s11+$0x0] =	vst.idx.add.f32.msk $0xffff, v22  }
0x60: {  	[tilespmem:v21+s11+$0x0] =	vst.idx.add.f32.msk $0xffff, v19  }
0x61: {  	s15 =	rddreg [dreg:$0x6]  }
0x62: {  	[tilespmem:s1], [sflag:$0x1] =	stream.linear.gather [hbm4b:s15+s1], $0x4000, $0x38;
	[tilespmem:$0x18800] =	vst v63  }
0x63: {  	s18 =	rddreg [dreg:$0x7]  }
0x64: {  	[tilespmem:s6], [sflag:$0x1] =	stream.linear.gather [hbm4b:s18+s1], $0x4000, $0x38;
	[tilespmem:$0x18800] =	vst v63  }
0x65: {  	_ =	swait.ge [sflag:s12], $0x4000  }
0x66: {  	[sflag:s12] =	ssyncset.done $0x0  }
0x67: {  	[sflag:s12] =	ssyncadd.s32 $0xFFFFC000  }
0x68: {  	_ =	swait.ge [sflag:s12], $0x4000  }
0x69: {  	[sflag:s12] =	ssyncset.done $0x0  }
0x6a: {  	s19 =	simm.s32 $0x4010;
	[sflag:s12] =	ssyncadd.s32 $0xFFFFC000  }
0x6b: {  	v19 =	vld [tilespmem:s19+$0xFFFFFFF0]  }
0x6c: {  	v20 =	vld [tilespmem:s19+$0x0];
	_ =	sdelay $0x3  }
0x6d: {  	s15 =	simm.s32 $0xC010;
	v19 =	vshll.u32 v19, $0x4  }
0x6e: {  	v22 =	vld [tilespmem:s15+$0xFFFFFFF0];
	v21 =	vshll.u32 v20, $0x4;
	v20 =	vor.u32 v1, v19  }
0x6f: {  	s16 =	simm.s32 $0x0;
	s17 =	simm.s32 $0x4030;
	v19 =	vld [tilespmem:s15+$0x0];
	v21 =	vor.u32 v1, v21  }
.LBB2_6:
0x70: {  	v23 =	vld [tilespmem:s17+$0xFFFFFFF0]  }
0x71: {  	s15 =	sadd.s32 $0x20, s15;
	s16 =	sadd.s32 $0x2, s16;
	v24 =	vld [tilespmem:s17+$0x0]  }
0x72: {  	p0 =	slt.u32 s16, $0x3FE;
	v25 =	vld [tilespmem:s15+$0xFFFFFFF0]  }
.Ltmp2:
0x73: {  	[tilespmem:v20+s10+$0x0] =	vst.idx.add.f32.msk $0xffff, v2;
	(pc) =	sbr.rel @p0 .LBB2_6-.Ltmp2, $4  }
0x74: {  	[tilespmem:v21+s10+$0x0] =	vst.idx.add.f32.msk $0xffff, v2  }
0x75: {  	v23 =	vshll.u32 v23, $0x4;
	[tilespmem:v20+s11+$0x0] =	vst.idx.add.f32.msk $0xffff, v22  }
0x76: {  	v24 =	vshll.u32 v24, $0x4;
	v20 =	vor.u32 v1, v23;
	[tilespmem:v21+s11+$0x0] =	vst.idx.add.f32.msk $0xffff, v19  }
0x77: {  	s17 =	sadd.s32 $0x20, s17;
	v19 =	vld [tilespmem:s15+$0x0];
	v21 =	vor.u32 v1, v24;
	v22 =	vmov v25  }
0x78: {  	_ =	sdelay $0x3  }
0x79: {  	[tilespmem:v20+s10+$0x0] =	vst.idx.add.f32.msk $0xffff, v2  }
0x7a: {  	[tilespmem:v21+s10+$0x0] =	vst.idx.add.f32.msk $0xffff, v2  }
0x7b: {  	[tilespmem:v20+s11+$0x0] =	vst.idx.add.f32.msk $0xffff, v22  }
0x7c: {  	[tilespmem:v21+s11+$0x0] =	vst.idx.add.f32.msk $0xffff, v19  }
0x7d: {  	s15 =	rddreg [dreg:$0x8]  }
0x7e: {  	[tilespmem:s7], [sflag:$0x2] =	stream.linear.gather [hbm4b:s15+s1], $0x4000, $0x38;
	[tilespmem:$0x18800] =	vst v63  }
0x7f: {  	s18 =	rddreg [dreg:$0x9]  }
0x80: {  	[tilespmem:s8], [sflag:$0x2] =	stream.linear.gather [hbm4b:s18+s1], $0x4000, $0x38;
	[tilespmem:$0x18800] =	vst v63  }
0x81: {  	_ =	swait.ge [sflag:s9], $0x4000  }
0x82: {  	[sflag:s9] =	ssyncset.done $0x0  }
0x83: {  	[sflag:s9] =	ssyncadd.s32 $0xFFFFC000  }
0x84: {  	_ =	swait.ge [sflag:s9], $0x4000  }
0x85: {  	[sflag:s9] =	ssyncset.done $0x0  }
0x86: {  	s19 =	simm.s32 $0x10;
	[sflag:s9] =	ssyncadd.s32 $0xFFFFC000  }
0x87: {  	v19 =	vld [tilespmem:s19+$0xFFFFFFF0]  }
0x88: {  	v20 =	vld [tilespmem:s19+$0x0];
	_ =	sdelay $0x3  }
0x89: {  	s15 =	simm.s32 $0x8010;
	v19 =	vshll.u32 v19, $0x4  }
0x8a: {  	v22 =	vld [tilespmem:s15+$0xFFFFFFF0];
	v21 =	vshll.u32 v20, $0x4;
	v20 =	vor.u32 v1, v19  }
0x8b: {  	s16 =	simm.s32 $0x0;
	s17 =	simm.s32 $0x30;
	v19 =	vld [tilespmem:s15+$0x0];
	v21 =	vor.u32 v1, v21  }
.LBB2_8:
0x8c: {  	v23 =	vld [tilespmem:s17+$0xFFFFFFF0]  }
0x8d: {  	s15 =	sadd.s32 $0x20, s15;
	s16 =	sadd.s32 $0x2, s16;
	v24 =	vld [tilespmem:s17+$0x0]  }
0x8e: {  	p0 =	slt.u32 s16, $0x3FE;
	v25 =	vld [tilespmem:s15+$0xFFFFFFF0]  }
.Ltmp3:
0x8f: {  	[tilespmem:v20+s10+$0x0] =	vst.idx.add.f32.msk $0xffff, v2;
	(pc) =	sbr.rel @p0 .LBB2_8-.Ltmp3, $4  }
0x90: {  	[tilespmem:v21+s10+$0x0] =	vst.idx.add.f32.msk $0xffff, v2  }
0x91: {  	v23 =	vshll.u32 v23, $0x4;
	[tilespmem:v20+s11+$0x0] =	vst.idx.add.f32.msk $0xffff, v22  }
0x92: {  	v24 =	vshll.u32 v24, $0x4;
	v20 =	vor.u32 v1, v23;
	[tilespmem:v21+s11+$0x0] =	vst.idx.add.f32.msk $0xffff, v19  }
0x93: {  	s17 =	sadd.s32 $0x20, s17;
	v19 =	vld [tilespmem:s15+$0x0];
	v21 =	vor.u32 v1, v24;
	v22 =	vmov v25  }
0x94: {  	_ =	sdelay $0x3  }
0x95: {  	[tilespmem:v20+s10+$0x0] =	vst.idx.add.f32.msk $0xffff, v2  }
0x96: {  	[tilespmem:v21+s10+$0x0] =	vst.idx.add.f32.msk $0xffff, v2  }
0x97: {  	[tilespmem:v20+s11+$0x0] =	vst.idx.add.f32.msk $0xffff, v22  }
0x98: {  	[tilespmem:v21+s11+$0x0] =	vst.idx.add.f32.msk $0xffff, v19  }
0x99: {  	s15 =	rddreg [dreg:$0xa]  }
0x9a: {  	[tilespmem:s1], [sflag:$0x1] =	stream.linear.gather [hbm4b:s15+s1], $0x4000, $0x38;
	[tilespmem:$0x18800] =	vst v63  }
0x9b: {  	s18 =	rddreg [dreg:$0xb]  }
0x9c: {  	[tilespmem:s6], [sflag:$0x1] =	stream.linear.gather [hbm4b:s18+s1], $0x4000, $0x38;
	[tilespmem:$0x18800] =	vst v63  }
0x9d: {  	_ =	swait.ge [sflag:s12], $0x4000  }
0x9e: {  	[sflag:s12] =	ssyncset.done $0x0  }
0x9f: {  	[sflag:s12] =	ssyncadd.s32 $0xFFFFC000  }
0xa0: {  	_ =	swait.ge [sflag:s12], $0x4000  }
0xa1: {  	[sflag:s12] =	ssyncset.done $0x0  }
0xa2: {  	s19 =	simm.s32 $0x4010;
	[sflag:s12] =	ssyncadd.s32 $0xFFFFC000  }
0xa3: {  	v19 =	vld [tilespmem:s19+$0xFFFFFFF0]  }
0xa4: {  	v20 =	vld [tilespmem:s19+$0x0];
	_ =	sdelay $0x3  }
0xa5: {  	s15 =	simm.s32 $0xC010;
	v19 =	vshll.u32 v19, $0x4  }
0xa6: {  	v22 =	vld [tilespmem:s15+$0xFFFFFFF0];
	v21 =	vshll.u32 v20, $0x4;
	v20 =	vor.u32 v1, v19  }
0xa7: {  	s16 =	simm.s32 $0x0;
	s17 =	simm.s32 $0x4030;
	v19 =	vld [tilespmem:s15+$0x0];
	v21 =	vor.u32 v1, v21  }
.LBB2_10:
0xa8: {  	v23 =	vld [tilespmem:s17+$0xFFFFFFF0]  }
0xa9: {  	s15 =	sadd.s32 $0x20, s15;
	s16 =	sadd.s32 $0x2, s16;
	v24 =	vld [tilespmem:s17+$0x0]  }
0xaa: {  	p0 =	slt.u32 s16, $0x3FE;
	v25 =	vld [tilespmem:s15+$0xFFFFFFF0]  }
.Ltmp4:
0xab: {  	[tilespmem:v20+s10+$0x0] =	vst.idx.add.f32.msk $0xffff, v2;
	(pc) =	sbr.rel @p0 .LBB2_10-.Ltmp4, $4  }
0xac: {  	[tilespmem:v21+s10+$0x0] =	vst.idx.add.f32.msk $0xffff, v2  }
0xad: {  	v23 =	vshll.u32 v23, $0x4;
	[tilespmem:v20+s11+$0x0] =	vst.idx.add.f32.msk $0xffff, v22  }
0xae: {  	v24 =	vshll.u32 v24, $0x4;
	v20 =	vor.u32 v1, v23;
	[tilespmem:v21+s11+$0x0] =	vst.idx.add.f32.msk $0xffff, v19  }
0xaf: {  	s17 =	sadd.s32 $0x20, s17;
	v19 =	vld [tilespmem:s15+$0x0];
	v21 =	vor.u32 v1, v24;
	v22 =	vmov v25  }
0xb0: {  	_ =	sdelay $0x3  }
0xb1: {  	[tilespmem:v20+s10+$0x0] =	vst.idx.add.f32.msk $0xffff, v2  }
0xb2: {  	[tilespmem:v21+s10+$0x0] =	vst.idx.add.f32.msk $0xffff, v2  }
0xb3: {  	[tilespmem:v20+s11+$0x0] =	vst.idx.add.f32.msk $0xffff, v22  }
0xb4: {  	[tilespmem:v21+s11+$0x0] =	vst.idx.add.f32.msk $0xffff, v19  }
0xb5: {  	s15 =	rddreg [dreg:$0xc]  }
0xb6: {  	[tilespmem:s7], [sflag:$0x2] =	stream.linear.gather [hbm4b:s15+s1], $0x4000, $0x38;
	[tilespmem:$0x18800] =	vst v63  }
0xb7: {  	s18 =	rddreg [dreg:$0xd]  }
0xb8: {  	[tilespmem:s8], [sflag:$0x2] =	stream.linear.gather [hbm4b:s18+s1], $0x4000, $0x38;
	[tilespmem:$0x18800] =	vst v63  }
0xb9: {  	_ =	swait.ge [sflag:s9], $0x4000  }
0xba: {  	[sflag:s9] =	ssyncset.done $0x0  }
0xbb: {  	[sflag:s9] =	ssyncadd.s32 $0xFFFFC000  }
0xbc: {  	_ =	swait.ge [sflag:s9], $0x4000  }
0xbd: {  	[sflag:s9] =	ssyncset.done $0x0  }
0xbe: {  	s19 =	simm.s32 $0x10;
	[sflag:s9] =	ssyncadd.s32 $0xFFFFC000  }
0xbf: {  	v19 =	vld [tilespmem:s19+$0xFFFFFFF0]  }
0xc0: {  	v20 =	vld [tilespmem:s19+$0x0];
	_ =	sdelay $0x3  }
0xc1: {  	s15 =	simm.s32 $0x8010;
	v19 =	vshll.u32 v19, $0x4  }
0xc2: {  	v22 =	vld [tilespmem:s15+$0xFFFFFFF0];
	v21 =	vshll.u32 v20, $0x4;
	v20 =	vor.u32 v1, v19  }
0xc3: {  	s16 =	simm.s32 $0x0;
	s17 =	simm.s32 $0x30;
	v19 =	vld [tilespmem:s15+$0x0];
	v21 =	vor.u32 v1, v21  }
.LBB2_12:
0xc4: {  	v23 =	vld [tilespmem:s17+$0xFFFFFFF0]  }
0xc5: {  	s15 =	sadd.s32 $0x20, s15;
	s16 =	sadd.s32 $0x2, s16;
	v24 =	vld [tilespmem:s17+$0x0]  }
0xc6: {  	p0 =	slt.u32 s16, $0x3FE;
	v25 =	vld [tilespmem:s15+$0xFFFFFFF0]  }
.Ltmp5:
0xc7: {  	[tilespmem:v20+s10+$0x0] =	vst.idx.add.f32.msk $0xffff, v2;
	(pc) =	sbr.rel @p0 .LBB2_12-.Ltmp5, $4  }
0xc8: {  	[tilespmem:v21+s10+$0x0] =	vst.idx.add.f32.msk $0xffff, v2  }
0xc9: {  	v23 =	vshll.u32 v23, $0x4;
	[tilespmem:v20+s11+$0x0] =	vst.idx.add.f32.msk $0xffff, v22  }
0xca: {  	v24 =	vshll.u32 v24, $0x4;
	v20 =	vor.u32 v1, v23;
	[tilespmem:v21+s11+$0x0] =	vst.idx.add.f32.msk $0xffff, v19  }
0xcb: {  	s17 =	sadd.s32 $0x20, s17;
	v19 =	vld [tilespmem:s15+$0x0];
	v21 =	vor.u32 v1, v24;
	v22 =	vmov v25  }
0xcc: {  	_ =	sdelay $0x3  }
0xcd: {  	[tilespmem:v20+s10+$0x0] =	vst.idx.add.f32.msk $0xffff, v2  }
0xce: {  	[tilespmem:v21+s10+$0x0] =	vst.idx.add.f32.msk $0xffff, v2  }
0xcf: {  	[tilespmem:v20+s11+$0x0] =	vst.idx.add.f32.msk $0xffff, v22  }
0xd0: {  	[tilespmem:v21+s11+$0x0] =	vst.idx.add.f32.msk $0xffff, v19  }
0xd1: {  	s15 =	rddreg [dreg:$0xe]  }
0xd2: {  	[tilespmem:s1], [sflag:$0x1] =	stream.linear.gather [hbm4b:s15+s1], $0x4000, $0x38;
	[tilespmem:$0x18800] =	vst v63  }
0xd3: {  	s18 =	rddreg [dreg:$0xf]  }
0xd4: {  	[tilespmem:s6], [sflag:$0x1] =	stream.linear.gather [hbm4b:s18+s1], $0x4000, $0x38;
	[tilespmem:$0x18800] =	vst v63  }
0xd5: {  	_ =	swait.ge [sflag:s12], $0x4000  }
0xd6: {  	[sflag:s12] =	ssyncset.done $0x0  }
0xd7: {  	[sflag:s12] =	ssyncadd.s32 $0xFFFFC000  }
0xd8: {  	_ =	swait.ge [sflag:s12], $0x4000  }
0xd9: {  	[sflag:s12] =	ssyncset.done $0x0  }
0xda: {  	s19 =	simm.s32 $0x4010;
	[sflag:s12] =	ssyncadd.s32 $0xFFFFC000  }
0xdb: {  	v19 =	vld [tilespmem:s19+$0xFFFFFFF0]  }
0xdc: {  	v20 =	vld [tilespmem:s19+$0x0];
	_ =	sdelay $0x3  }
0xdd: {  	s15 =	simm.s32 $0xC010;
	v19 =	vshll.u32 v19, $0x4  }
0xde: {  	v22 =	vld [tilespmem:s15+$0xFFFFFFF0];
	v21 =	vshll.u32 v20, $0x4;
	v20 =	vor.u32 v1, v19  }
0xdf: {  	s16 =	simm.s32 $0x0;
	s17 =	simm.s32 $0x4030;
	v19 =	vld [tilespmem:s15+$0x0];
	v21 =	vor.u32 v1, v21  }
.LBB2_14:
0xe0: {  	v23 =	vld [tilespmem:s17+$0xFFFFFFF0]  }
0xe1: {  	s15 =	sadd.s32 $0x20, s15;
	s16 =	sadd.s32 $0x2, s16;
	v24 =	vld [tilespmem:s17+$0x0]  }
0xe2: {  	p0 =	slt.u32 s16, $0x3FE;
	v25 =	vld [tilespmem:s15+$0xFFFFFFF0]  }
.Ltmp6:
0xe3: {  	[tilespmem:v20+s10+$0x0] =	vst.idx.add.f32.msk $0xffff, v2;
	(pc) =	sbr.rel @p0 .LBB2_14-.Ltmp6, $4  }
0xe4: {  	[tilespmem:v21+s10+$0x0] =	vst.idx.add.f32.msk $0xffff, v2  }
0xe5: {  	v23 =	vshll.u32 v23, $0x4;
	[tilespmem:v20+s11+$0x0] =	vst.idx.add.f32.msk $0xffff, v22  }
0xe6: {  	v24 =	vshll.u32 v24, $0x4;
	v20 =	vor.u32 v1, v23;
	[tilespmem:v21+s11+$0x0] =	vst.idx.add.f32.msk $0xffff, v19  }
0xe7: {  	s17 =	sadd.s32 $0x20, s17;
	v19 =	vld [tilespmem:s15+$0x0];
	v21 =	vor.u32 v1, v24;
	v22 =	vmov v25  }
0xe8: {  	_ =	sdelay $0x3  }
0xe9: {  	[tilespmem:v20+s10+$0x0] =	vst.idx.add.f32.msk $0xffff, v2  }
0xea: {  	[tilespmem:v21+s10+$0x0] =	vst.idx.add.f32.msk $0xffff, v2  }
0xeb: {  	[tilespmem:v20+s11+$0x0] =	vst.idx.add.f32.msk $0xffff, v22  }
0xec: {  	[tilespmem:v21+s11+$0x0] =	vst.idx.add.f32.msk $0xffff, v19  }
0xed: {  	s15 =	rddreg [dreg:$0x10]  }
0xee: {  	[tilespmem:s7], [sflag:$0x2] =	stream.linear.gather [hbm4b:s15+s1], $0x4000, $0x38;
	[tilespmem:$0x18800] =	vst v63  }
0xef: {  	s18 =	rddreg [dreg:$0x11]  }
0xf0: {  	[tilespmem:s8], [sflag:$0x2] =	stream.linear.gather [hbm4b:s18+s1], $0x4000, $0x38;
	[tilespmem:$0x18800] =	vst v63  }
0xf1: {  	_ =	swait.ge [sflag:s9], $0x4000  }
0xf2: {  	[sflag:s9] =	ssyncset.done $0x0  }
0xf3: {  	[sflag:s9] =	ssyncadd.s32 $0xFFFFC000  }
0xf4: {  	_ =	swait.ge [sflag:s9], $0x4000  }
0xf5: {  	[sflag:s9] =	ssyncset.done $0x0  }
0xf6: {  	s19 =	simm.s32 $0x10;
	[sflag:s9] =	ssyncadd.s32 $0xFFFFC000  }
0xf7: {  	v19 =	vld [tilespmem:s19+$0xFFFFFFF0]  }
0xf8: {  	v20 =	vld [tilespmem:s19+$0x0];
	_ =	sdelay $0x3  }
0xf9: {  	s15 =	simm.s32 $0x8010;
	v19 =	vshll.u32 v19, $0x4  }
0xfa: {  	v22 =	vld [tilespmem:s15+$0xFFFFFFF0];
	v21 =	vshll.u32 v20, $0x4;
	v20 =	vor.u32 v1, v19  }
0xfb: {  	s16 =	simm.s32 $0x0;
	s17 =	simm.s32 $0x30;
	v19 =	vld [tilespmem:s15+$0x0];
	v21 =	vor.u32 v1, v21  }
.LBB2_16:
0xfc: {  	v23 =	vld [tilespmem:s17+$0xFFFFFFF0]  }
0xfd: {  	s15 =	sadd.s32 $0x20, s15;
	s16 =	sadd.s32 $0x2, s16;
	v24 =	vld [tilespmem:s17+$0x0]  }
0xfe: {  	p0 =	slt.u32 s16, $0x3FE;
	v25 =	vld [tilespmem:s15+$0xFFFFFFF0]  }
.Ltmp7:
0xff: {  	[tilespmem:v20+s10+$0x0] =	vst.idx.add.f32.msk $0xffff, v2;
	(pc) =	sbr.rel @p0 .LBB2_16-.Ltmp7, $4  }
0x100: {  	[tilespmem:v21+s10+$0x0] =	vst.idx.add.f32.msk $0xffff, v2  }
0x101: {  	v23 =	vshll.u32 v23, $0x4;
	[tilespmem:v20+s11+$0x0] =	vst.idx.add.f32.msk $0xffff, v22  }
0x102: {  	v24 =	vshll.u32 v24, $0x4;
	v20 =	vor.u32 v1, v23;
	[tilespmem:v21+s11+$0x0] =	vst.idx.add.f32.msk $0xffff, v19  }
0x103: {  	s17 =	sadd.s32 $0x20, s17;
	v19 =	vld [tilespmem:s15+$0x0];
	v21 =	vor.u32 v1, v24;
	v22 =	vmov v25  }
0x104: {  	_ =	sdelay $0x3  }
0x105: {  	[tilespmem:v20+s10+$0x0] =	vst.idx.add.f32.msk $0xffff, v2  }
0x106: {  	[tilespmem:v21+s10+$0x0] =	vst.idx.add.f32.msk $0xffff, v2  }
0x107: {  	[tilespmem:v20+s11+$0x0] =	vst.idx.add.f32.msk $0xffff, v22  }
0x108: {  	[tilespmem:v21+s11+$0x0] =	vst.idx.add.f32.msk $0xffff, v19  }
0x109: {  	s15 =	rddreg [dreg:$0x12]  }
0x10a: {  	[tilespmem:s1], [sflag:$0x1] =	stream.linear.gather [hbm4b:s15+s1], $0x4000, $0x38;
	[tilespmem:$0x18800] =	vst v63  }
0x10b: {  	s18 =	rddreg [dreg:$0x13]  }
0x10c: {  	[tilespmem:s6], [sflag:$0x1] =	stream.linear.gather [hbm4b:s18+s1], $0x4000, $0x38;
	[tilespmem:$0x18800] =	vst v63  }
0x10d: {  	_ =	swait.ge [sflag:s12], $0x4000  }
0x10e: {  	[sflag:s12] =	ssyncset.done $0x0  }
0x10f: {  	[sflag:s12] =	ssyncadd.s32 $0xFFFFC000  }
0x110: {  	_ =	swait.ge [sflag:s12], $0x4000  }
0x111: {  	[sflag:s12] =	ssyncset.done $0x0  }
0x112: {  	s19 =	simm.s32 $0x4010;
	[sflag:s12] =	ssyncadd.s32 $0xFFFFC000  }
0x113: {  	v19 =	vld [tilespmem:s19+$0xFFFFFFF0]  }
0x114: {  	v20 =	vld [tilespmem:s19+$0x0];
	_ =	sdelay $0x3  }
0x115: {  	s15 =	simm.s32 $0xC010;
	v19 =	vshll.u32 v19, $0x4  }
0x116: {  	v22 =	vld [tilespmem:s15+$0xFFFFFFF0];
	v21 =	vshll.u32 v20, $0x4;
	v20 =	vor.u32 v1, v19  }
0x117: {  	s16 =	simm.s32 $0x0;
	s17 =	simm.s32 $0x4030;
	v19 =	vld [tilespmem:s15+$0x0];
	v21 =	vor.u32 v1, v21  }
.LBB2_18:
0x118: {  	v23 =	vld [tilespmem:s17+$0xFFFFFFF0]  }
0x119: {  	s15 =	sadd.s32 $0x20, s15;
	s16 =	sadd.s32 $0x2, s16;
	v24 =	vld [tilespmem:s17+$0x0]  }
0x11a: {  	p0 =	slt.u32 s16, $0x3FE;
	v25 =	vld [tilespmem:s15+$0xFFFFFFF0]  }
.Ltmp8:
0x11b: {  	[tilespmem:v20+s10+$0x0] =	vst.idx.add.f32.msk $0xffff, v2;
	(pc) =	sbr.rel @p0 .LBB2_18-.Ltmp8, $4  }
0x11c: {  	[tilespmem:v21+s10+$0x0] =	vst.idx.add.f32.msk $0xffff, v2  }
0x11d: {  	v23 =	vshll.u32 v23, $0x4;
	[tilespmem:v20+s11+$0x0] =	vst.idx.add.f32.msk $0xffff, v22  }
0x11e: {  	v24 =	vshll.u32 v24, $0x4;
	v20 =	vor.u32 v1, v23;
	[tilespmem:v21+s11+$0x0] =	vst.idx.add.f32.msk $0xffff, v19  }
0x11f: {  	s17 =	sadd.s32 $0x20, s17;
	v19 =	vld [tilespmem:s15+$0x0];
	v21 =	vor.u32 v1, v24;
	v22 =	vmov v25  }
0x120: {  	_ =	sdelay $0x3  }
0x121: {  	[tilespmem:v20+s10+$0x0] =	vst.idx.add.f32.msk $0xffff, v2  }
0x122: {  	[tilespmem:v21+s10+$0x0] =	vst.idx.add.f32.msk $0xffff, v2  }
0x123: {  	[tilespmem:v20+s11+$0x0] =	vst.idx.add.f32.msk $0xffff, v22  }
0x124: {  	[tilespmem:v21+s11+$0x0] =	vst.idx.add.f32.msk $0xffff, v19  }
0x125: {  	s15 =	rddreg [dreg:$0x14]  }
0x126: {  	[tilespmem:s7], [sflag:$0x2] =	stream.linear.gather [hbm4b:s15+s1], $0x4000, $0x38;
	[tilespmem:$0x18800] =	vst v63  }
0x127: {  	s18 =	rddreg [dreg:$0x15]  }
0x128: {  	[tilespmem:s8], [sflag:$0x2] =	stream.linear.gather [hbm4b:s18+s1], $0x4000, $0x38;
	[tilespmem:$0x18800] =	vst v63  }
0x129: {  	_ =	swait.ge [sflag:s9], $0x4000  }
0x12a: {  	[sflag:s9] =	ssyncset.done $0x0  }
0x12b: {  	[sflag:s9] =	ssyncadd.s32 $0xFFFFC000  }
0x12c: {  	_ =	swait.ge [sflag:s9], $0x4000  }
0x12d: {  	[sflag:s9] =	ssyncset.done $0x0  }
0x12e: {  	s19 =	simm.s32 $0x10;
	[sflag:s9] =	ssyncadd.s32 $0xFFFFC000  }
0x12f: {  	v19 =	vld [tilespmem:s19+$0xFFFFFFF0]  }
0x130: {  	v20 =	vld [tilespmem:s19+$0x0];
	_ =	sdelay $0x3  }
0x131: {  	s15 =	simm.s32 $0x8010;
	v19 =	vshll.u32 v19, $0x4  }
0x132: {  	v22 =	vld [tilespmem:s15+$0xFFFFFFF0];
	v21 =	vshll.u32 v20, $0x4;
	v20 =	vor.u32 v1, v19  }
0x133: {  	s16 =	simm.s32 $0x0;
	s17 =	simm.s32 $0x30;
	v19 =	vld [tilespmem:s15+$0x0];
	v21 =	vor.u32 v1, v21  }
.LBB2_20:
0x134: {  	v23 =	vld [tilespmem:s17+$0xFFFFFFF0]  }
0x135: {  	s15 =	sadd.s32 $0x20, s15;
	s16 =	sadd.s32 $0x2, s16;
	v24 =	vld [tilespmem:s17+$0x0]  }
0x136: {  	p0 =	slt.u32 s16, $0x3FE;
	v25 =	vld [tilespmem:s15+$0xFFFFFFF0]  }
.Ltmp9:
0x137: {  	[tilespmem:v20+s10+$0x0] =	vst.idx.add.f32.msk $0xffff, v2;
	(pc) =	sbr.rel @p0 .LBB2_20-.Ltmp9, $4  }
0x138: {  	[tilespmem:v21+s10+$0x0] =	vst.idx.add.f32.msk $0xffff, v2  }
0x139: {  	v23 =	vshll.u32 v23, $0x4;
	[tilespmem:v20+s11+$0x0] =	vst.idx.add.f32.msk $0xffff, v22  }
0x13a: {  	v24 =	vshll.u32 v24, $0x4;
	v20 =	vor.u32 v1, v23;
	[tilespmem:v21+s11+$0x0] =	vst.idx.add.f32.msk $0xffff, v19  }
0x13b: {  	s17 =	sadd.s32 $0x20, s17;
	v19 =	vld [tilespmem:s15+$0x0];
	v21 =	vor.u32 v1, v24;
	v22 =	vmov v25  }
0x13c: {  	_ =	sdelay $0x3  }
0x13d: {  	[tilespmem:v20+s10+$0x0] =	vst.idx.add.f32.msk $0xffff, v2  }
0x13e: {  	[tilespmem:v21+s10+$0x0] =	vst.idx.add.f32.msk $0xffff, v2  }
0x13f: {  	[tilespmem:v20+s11+$0x0] =	vst.idx.add.f32.msk $0xffff, v22  }
0x140: {  	[tilespmem:v21+s11+$0x0] =	vst.idx.add.f32.msk $0xffff, v19  }
0x141: {  	[tilespmem:s1], [sflag:$0x1] =	stream.linear.gather [hbm4b:s20+s1], $0x4000, $0x38;
	[tilespmem:$0x18800] =	vst v63  }
0x142: {  	_ = 	snop  }
0x143: {  	[tilespmem:s6], [sflag:$0x1] =	stream.linear.gather [hbm4b:s21+s1], $0x4000, $0x38;
	[tilespmem:$0x18800] =	vst v63  }
0x144: {  	_ =	swait.ge [sflag:s12], $0x4000  }
0x145: {  	[sflag:s12] =	ssyncset.done $0x0  }
0x146: {  	[sflag:s12] =	ssyncadd.s32 $0xFFFFC000  }
0x147: {  	_ =	swait.ge [sflag:s12], $0x4000  }
0x148: {  	[sflag:s12] =	ssyncset.done $0x0  }
0x149: {  	s15 =	simm.s32 $0x4010;
	[sflag:s12] =	ssyncadd.s32 $0xFFFFC000  }
0x14a: {  	v19 =	vld [tilespmem:s15+$0xFFFFFFF0]  }
0x14b: {  	v20 =	vld [tilespmem:s15+$0x0];
	_ =	sdelay $0x3  }
0x14c: {  	s15 =	simm.s32 $0xC010;
	v19 =	vshll.u32 v19, $0x4  }
0x14d: {  	v22 =	vld [tilespmem:s15+$0xFFFFFFF0];
	v21 =	vshll.u32 v20, $0x4;
	v20 =	vor.u32 v1, v19  }
0x14e: {  	s16 =	simm.s32 $0x0;
	s17 =	simm.s32 $0x4030;
	v19 =	vld [tilespmem:s15+$0x0];
	v21 =	vor.u32 v1, v21  }
.LBB2_22:
0x14f: {  	v23 =	vld [tilespmem:s17+$0xFFFFFFF0]  }
0x150: {  	s15 =	sadd.s32 $0x20, s15;
	s16 =	sadd.s32 $0x2, s16;
	v24 =	vld [tilespmem:s17+$0x0]  }
0x151: {  	p0 =	slt.u32 s16, $0x3FE;
	v25 =	vld [tilespmem:s15+$0xFFFFFFF0]  }
.Ltmp10:
0x152: {  	[tilespmem:v20+s10+$0x0] =	vst.idx.add.f32.msk $0xffff, v2;
	(pc) =	sbr.rel @p0 .LBB2_22-.Ltmp10, $4  }
0x153: {  	[tilespmem:v21+s10+$0x0] =	vst.idx.add.f32.msk $0xffff, v2  }
0x154: {  	v23 =	vshll.u32 v23, $0x4;
	[tilespmem:v20+s11+$0x0] =	vst.idx.add.f32.msk $0xffff, v22  }
0x155: {  	v24 =	vshll.u32 v24, $0x4;
	v20 =	vor.u32 v1, v23;
	[tilespmem:v21+s11+$0x0] =	vst.idx.add.f32.msk $0xffff, v19  }
0x156: {  	s17 =	sadd.s32 $0x20, s17;
	v19 =	vld [tilespmem:s15+$0x0];
	v21 =	vor.u32 v1, v24;
	v22 =	vmov v25  }
0x157: {  	_ =	sdelay $0x3  }
0x158: {  	[tilespmem:v20+s10+$0x0] =	vst.idx.add.f32.msk $0xffff, v2  }
0x159: {  	[tilespmem:v21+s10+$0x0] =	vst.idx.add.f32.msk $0xffff, v2  }
0x15a: {  	[tilespmem:v20+s11+$0x0] =	vst.idx.add.f32.msk $0xffff, v22  }
0x15b: {  	[tilespmem:v21+s11+$0x0] =	vst.idx.add.f32.msk $0xffff, v19  }
0x15c: {  	[tilespmem:s7], [sflag:$0x2] =	stream.linear.gather [hbm4b:s22+s1], $0x4000, $0x38;
	[tilespmem:$0x18800] =	vst v63  }
0x15d: {  	_ = 	snop  }
0x15e: {  	[tilespmem:s8], [sflag:$0x2] =	stream.linear.gather [hbm4b:s23+s1], $0x4000, $0x38;
	[tilespmem:$0x18800] =	vst v63  }
0x15f: {  	_ =	swait.ge [sflag:s9], $0x4000  }
0x160: {  	[sflag:s9] =	ssyncset.done $0x0  }
0x161: {  	[sflag:s9] =	ssyncadd.s32 $0xFFFFC000  }
0x162: {  	_ =	swait.ge [sflag:s9], $0x4000  }
0x163: {  	[sflag:s9] =	ssyncset.done $0x0  }
0x164: {  	s15 =	simm.s32 $0x10;
	[sflag:s9] =	ssyncadd.s32 $0xFFFFC000  }
0x165: {  	v19 =	vld [tilespmem:s15+$0xFFFFFFF0]  }
0x166: {  	v20 =	vld [tilespmem:s15+$0x0];
	_ =	sdelay $0x3  }
0x167: {  	s15 =	simm.s32 $0x8010;
	v19 =	vshll.u32 v19, $0x4  }
0x168: {  	v22 =	vld [tilespmem:s15+$0xFFFFFFF0];
	v21 =	vshll.u32 v20, $0x4;
	v20 =	vor.u32 v1, v19  }
0x169: {  	s16 =	simm.s32 $0x0;
	s17 =	simm.s32 $0x30;
	v19 =	vld [tilespmem:s15+$0x0];
	v21 =	vor.u32 v1, v21  }
.LBB2_24:
0x16a: {  	v23 =	vld [tilespmem:s17+$0xFFFFFFF0]  }
0x16b: {  	s15 =	sadd.s32 $0x20, s15;
	s16 =	sadd.s32 $0x2, s16;
	v24 =	vld [tilespmem:s17+$0x0]  }
0x16c: {  	p0 =	slt.u32 s16, $0x3FE;
	v25 =	vld [tilespmem:s15+$0xFFFFFFF0]  }
.Ltmp11:
0x16d: {  	[tilespmem:v20+s10+$0x0] =	vst.idx.add.f32.msk $0xffff, v2;
	(pc) =	sbr.rel @p0 .LBB2_24-.Ltmp11, $4  }
0x16e: {  	[tilespmem:v21+s10+$0x0] =	vst.idx.add.f32.msk $0xffff, v2  }
0x16f: {  	v23 =	vshll.u32 v23, $0x4;
	[tilespmem:v20+s11+$0x0] =	vst.idx.add.f32.msk $0xffff, v22  }
0x170: {  	v24 =	vshll.u32 v24, $0x4;
	v20 =	vor.u32 v1, v23;
	[tilespmem:v21+s11+$0x0] =	vst.idx.add.f32.msk $0xffff, v19  }
0x171: {  	s17 =	sadd.s32 $0x20, s17;
	v19 =	vld [tilespmem:s15+$0x0];
	v21 =	vor.u32 v1, v24;
	v22 =	vmov v25  }
0x172: {  	_ =	sdelay $0x3  }
0x173: {  	[tilespmem:v20+s10+$0x0] =	vst.idx.add.f32.msk $0xffff, v2  }
0x174: {  	[tilespmem:v21+s10+$0x0] =	vst.idx.add.f32.msk $0xffff, v2  }
0x175: {  	[tilespmem:v20+s11+$0x0] =	vst.idx.add.f32.msk $0xffff, v22  }
0x176: {  	[tilespmem:v21+s11+$0x0] =	vst.idx.add.f32.msk $0xffff, v19  }
0x177: {  	[tilespmem:s1], [sflag:$0x1] =	stream.linear.gather [hbm4b:s24+s1], $0x4000, $0x38;
	[tilespmem:$0x18800] =	vst v63  }
0x178: {  	_ = 	snop  }
0x179: {  	[tilespmem:s6], [sflag:$0x1] =	stream.linear.gather [hbm4b:s25+s1], $0x4000, $0x38;
	[tilespmem:$0x18800] =	vst v63  }
0x17a: {  	_ =	swait.ge [sflag:s12], $0x4000  }
0x17b: {  	[sflag:s12] =	ssyncset.done $0x0  }
0x17c: {  	[sflag:s12] =	ssyncadd.s32 $0xFFFFC000  }
0x17d: {  	_ =	swait.ge [sflag:s12], $0x4000  }
0x17e: {  	[sflag:s12] =	ssyncset.done $0x0  }
0x17f: {  	s15 =	simm.s32 $0x4010;
	[sflag:s12] =	ssyncadd.s32 $0xFFFFC000  }
0x180: {  	v19 =	vld [tilespmem:s15+$0xFFFFFFF0]  }
0x181: {  	v20 =	vld [tilespmem:s15+$0x0];
	_ =	sdelay $0x3  }
0x182: {  	s15 =	simm.s32 $0xC010;
	v19 =	vshll.u32 v19, $0x4  }
0x183: {  	v22 =	vld [tilespmem:s15+$0xFFFFFFF0];
	v21 =	vshll.u32 v20, $0x4;
	v20 =	vor.u32 v1, v19  }
0x184: {  	s16 =	simm.s32 $0x0;
	s17 =	simm.s32 $0x4030;
	v19 =	vld [tilespmem:s15+$0x0];
	v21 =	vor.u32 v1, v21  }
.LBB2_26:
0x185: {  	v23 =	vld [tilespmem:s17+$0xFFFFFFF0]  }
0x186: {  	s15 =	sadd.s32 $0x20, s15;
	s16 =	sadd.s32 $0x2, s16;
	v24 =	vld [tilespmem:s17+$0x0]  }
0x187: {  	p0 =	slt.u32 s16, $0x3FE;
	v25 =	vld [tilespmem:s15+$0xFFFFFFF0]  }
.Ltmp12:
0x188: {  	[tilespmem:v20+s10+$0x0] =	vst.idx.add.f32.msk $0xffff, v2;
	(pc) =	sbr.rel @p0 .LBB2_26-.Ltmp12, $4  }
0x189: {  	[tilespmem:v21+s10+$0x0] =	vst.idx.add.f32.msk $0xffff, v2  }
0x18a: {  	v23 =	vshll.u32 v23, $0x4;
	[tilespmem:v20+s11+$0x0] =	vst.idx.add.f32.msk $0xffff, v22  }
0x18b: {  	v24 =	vshll.u32 v24, $0x4;
	v20 =	vor.u32 v1, v23;
	[tilespmem:v21+s11+$0x0] =	vst.idx.add.f32.msk $0xffff, v19  }
0x18c: {  	s17 =	sadd.s32 $0x20, s17;
	v19 =	vld [tilespmem:s15+$0x0];
	v21 =	vor.u32 v1, v24;
	v22 =	vmov v25  }
0x18d: {  	_ =	sdelay $0x3  }
0x18e: {  	[tilespmem:v20+s10+$0x0] =	vst.idx.add.f32.msk $0xffff, v2  }
0x18f: {  	[tilespmem:v21+s10+$0x0] =	vst.idx.add.f32.msk $0xffff, v2  }
0x190: {  	[tilespmem:v20+s11+$0x0] =	vst.idx.add.f32.msk $0xffff, v22  }
0x191: {  	[tilespmem:v21+s11+$0x0] =	vst.idx.add.f32.msk $0xffff, v19  }
0x192: {  	[tilespmem:s7], [sflag:$0x2] =	stream.linear.gather [hbm4b:s26+s1], $0x4000, $0x38;
	[tilespmem:$0x18800] =	vst v63  }
0x193: {  	_ = 	snop  }
0x194: {  	[tilespmem:s8], [sflag:$0x2] =	stream.linear.gather [hbm4b:s28+s1], $0x4000, $0x38;
	[tilespmem:$0x18800] =	vst v63  }
0x195: {  	_ =	swait.ge [sflag:s9], $0x4000  }
0x196: {  	[sflag:s9] =	ssyncset.done $0x0  }
0x197: {  	[sflag:s9] =	ssyncadd.s32 $0xFFFFC000  }
0x198: {  	_ =	swait.ge [sflag:s9], $0x4000  }
0x199: {  	[sflag:s9] =	ssyncset.done $0x0  }
0x19a: {  	s15 =	simm.s32 $0x10;
	[sflag:s9] =	ssyncadd.s32 $0xFFFFC000  }
0x19b: {  	v19 =	vld [tilespmem:s15+$0xFFFFFFF0]  }
0x19c: {  	v20 =	vld [tilespmem:s15+$0x0];
	_ =	sdelay $0x3  }
0x19d: {  	s15 =	simm.s32 $0x8010;
	v19 =	vshll.u32 v19, $0x4  }
0x19e: {  	v22 =	vld [tilespmem:s15+$0xFFFFFFF0];
	v21 =	vshll.u32 v20, $0x4;
	v20 =	vor.u32 v1, v19  }
0x19f: {  	s16 =	simm.s32 $0x0;
	s17 =	simm.s32 $0x30;
	v19 =	vld [tilespmem:s15+$0x0];
	v21 =	vor.u32 v1, v21  }
.LBB2_28:
0x1a0: {  	v23 =	vld [tilespmem:s17+$0xFFFFFFF0]  }
0x1a1: {  	s15 =	sadd.s32 $0x20, s15;
	s16 =	sadd.s32 $0x2, s16;
	v24 =	vld [tilespmem:s17+$0x0]  }
0x1a2: {  	p0 =	slt.u32 s16, $0x3FE;
	v25 =	vld [tilespmem:s15+$0xFFFFFFF0]  }
.Ltmp13:
0x1a3: {  	[tilespmem:v20+s10+$0x0] =	vst.idx.add.f32.msk $0xffff, v2;
	(pc) =	sbr.rel @p0 .LBB2_28-.Ltmp13, $4  }
0x1a4: {  	[tilespmem:v21+s10+$0x0] =	vst.idx.add.f32.msk $0xffff, v2  }
0x1a5: {  	v23 =	vshll.u32 v23, $0x4;
	[tilespmem:v20+s11+$0x0] =	vst.idx.add.f32.msk $0xffff, v22  }
0x1a6: {  	v24 =	vshll.u32 v24, $0x4;
	v20 =	vor.u32 v1, v23;
	[tilespmem:v21+s11+$0x0] =	vst.idx.add.f32.msk $0xffff, v19  }
0x1a7: {  	s17 =	sadd.s32 $0x20, s17;
	v19 =	vld [tilespmem:s15+$0x0];
	v21 =	vor.u32 v1, v24;
	v22 =	vmov v25  }
0x1a8: {  	_ =	sdelay $0x3  }
0x1a9: {  	[tilespmem:v20+s10+$0x0] =	vst.idx.add.f32.msk $0xffff, v2  }
0x1aa: {  	[tilespmem:v21+s10+$0x0] =	vst.idx.add.f32.msk $0xffff, v2  }
0x1ab: {  	[tilespmem:v20+s11+$0x0] =	vst.idx.add.f32.msk $0xffff, v22  }
0x1ac: {  	[tilespmem:v21+s11+$0x0] =	vst.idx.add.f32.msk $0xffff, v19  }
0x1ad: {  	[tilespmem:s1], [sflag:$0x1] =	stream.linear.gather [hbm4b:s31+s1], $0x4000, $0x38;
	[tilespmem:$0x18800] =	vst v63  }
0x1ae: {  	_ = 	snop  }
0x1af: {  	[tilespmem:s6], [sflag:$0x1] =	stream.linear.gather [hbm4b:s0+s1], $0x4000, $0x38;
	[tilespmem:$0x18800] =	vst v63  }
0x1b0: {  	_ =	swait.ge [sflag:s12], $0x4000  }
0x1b1: {  	[sflag:s12] =	ssyncset.done $0x0  }
0x1b2: {  	[sflag:s12] =	ssyncadd.s32 $0xFFFFC000  }
0x1b3: {  	_ =	swait.ge [sflag:s12], $0x4000  }
0x1b4: {  	[sflag:s12] =	ssyncset.done $0x0  }
0x1b5: {  	s15 =	simm.s32 $0x4010;
	[sflag:s12] =	ssyncadd.s32 $0xFFFFC000  }
0x1b6: {  	v19 =	vld [tilespmem:s15+$0xFFFFFFF0]  }
0x1b7: {  	v20 =	vld [tilespmem:s15+$0x0];
	_ =	sdelay $0x3  }
0x1b8: {  	s15 =	simm.s32 $0xC010;
	v19 =	vshll.u32 v19, $0x4  }
0x1b9: {  	v22 =	vld [tilespmem:s15+$0xFFFFFFF0];
	v21 =	vshll.u32 v20, $0x4;
	v20 =	vor.u32 v1, v19  }
0x1ba: {  	s16 =	simm.s32 $0x0;
	s17 =	simm.s32 $0x4030;
	v19 =	vld [tilespmem:s15+$0x0];
	v21 =	vor.u32 v1, v21  }
.LBB2_30:
0x1bb: {  	v23 =	vld [tilespmem:s17+$0xFFFFFFF0]  }
0x1bc: {  	s15 =	sadd.s32 $0x20, s15;
	s16 =	sadd.s32 $0x2, s16;
	v24 =	vld [tilespmem:s17+$0x0]  }
0x1bd: {  	p0 =	slt.u32 s16, $0x3FE;
	v25 =	vld [tilespmem:s15+$0xFFFFFFF0]  }
.Ltmp14:
0x1be: {  	[tilespmem:v20+s10+$0x0] =	vst.idx.add.f32.msk $0xffff, v2;
	(pc) =	sbr.rel @p0 .LBB2_30-.Ltmp14, $4  }
0x1bf: {  	[tilespmem:v21+s10+$0x0] =	vst.idx.add.f32.msk $0xffff, v2  }
0x1c0: {  	v23 =	vshll.u32 v23, $0x4;
	[tilespmem:v20+s11+$0x0] =	vst.idx.add.f32.msk $0xffff, v22  }
0x1c1: {  	v24 =	vshll.u32 v24, $0x4;
	v20 =	vor.u32 v1, v23;
	[tilespmem:v21+s11+$0x0] =	vst.idx.add.f32.msk $0xffff, v19  }
0x1c2: {  	s17 =	sadd.s32 $0x20, s17;
	v19 =	vld [tilespmem:s15+$0x0];
	v21 =	vor.u32 v1, v24;
	v22 =	vmov v25  }
0x1c3: {  	_ =	sdelay $0x3  }
0x1c4: {  	[tilespmem:v20+s10+$0x0] =	vst.idx.add.f32.msk $0xffff, v2  }
0x1c5: {  	[tilespmem:v21+s10+$0x0] =	vst.idx.add.f32.msk $0xffff, v2  }
0x1c6: {  	[tilespmem:v20+s11+$0x0] =	vst.idx.add.f32.msk $0xffff, v22  }
0x1c7: {  	[tilespmem:v21+s11+$0x0] =	vst.idx.add.f32.msk $0xffff, v19  }
0x1c8: {  	[tilespmem:s7], [sflag:$0x2] =	stream.linear.gather [hbm4b:s2+s1], $0x4000, $0x38;
	[tilespmem:$0x18800] =	vst v63  }
0x1c9: {  	_ = 	snop  }
0x1ca: {  	[tilespmem:s8], [sflag:$0x2] =	stream.linear.gather [hbm4b:s3+s1], $0x4000, $0x38;
	[tilespmem:$0x18800] =	vst v63  }
0x1cb: {  	_ =	swait.ge [sflag:s9], $0x4000  }
0x1cc: {  	[sflag:s9] =	ssyncset.done $0x0  }
0x1cd: {  	[sflag:s9] =	ssyncadd.s32 $0xFFFFC000  }
0x1ce: {  	_ =	swait.ge [sflag:s9], $0x4000  }
0x1cf: {  	[sflag:s9] =	ssyncset.done $0x0  }
0x1d0: {  	s15 =	simm.s32 $0x10;
	[sflag:s9] =	ssyncadd.s32 $0xFFFFC000  }
0x1d1: {  	v19 =	vld [tilespmem:s15+$0xFFFFFFF0]  }
0x1d2: {  	v20 =	vld [tilespmem:s15+$0x0];
	_ =	sdelay $0x3  }
0x1d3: {  	s15 =	simm.s32 $0x8010;
	v19 =	vshll.u32 v19, $0x4  }
0x1d4: {  	v22 =	vld [tilespmem:s15+$0xFFFFFFF0];
	v21 =	vshll.u32 v20, $0x4;
	v20 =	vor.u32 v1, v19  }
0x1d5: {  	s16 =	simm.s32 $0x0;
	s17 =	simm.s32 $0x30;
	v19 =	vld [tilespmem:s15+$0x0];
	v21 =	vor.u32 v1, v21  }
.LBB2_32:
0x1d6: {  	v23 =	vld [tilespmem:s17+$0xFFFFFFF0]  }
0x1d7: {  	s15 =	sadd.s32 $0x20, s15;
	s16 =	sadd.s32 $0x2, s16;
	v24 =	vld [tilespmem:s17+$0x0]  }
0x1d8: {  	p0 =	slt.u32 s16, $0x3FE;
	v25 =	vld [tilespmem:s15+$0xFFFFFFF0]  }
.Ltmp15:
0x1d9: {  	[tilespmem:v20+s10+$0x0] =	vst.idx.add.f32.msk $0xffff, v2;
	(pc) =	sbr.rel @p0 .LBB2_32-.Ltmp15, $4  }
0x1da: {  	[tilespmem:v21+s10+$0x0] =	vst.idx.add.f32.msk $0xffff, v2  }
0x1db: {  	v23 =	vshll.u32 v23, $0x4;
	[tilespmem:v20+s11+$0x0] =	vst.idx.add.f32.msk $0xffff, v22  }
0x1dc: {  	v24 =	vshll.u32 v24, $0x4;
	v20 =	vor.u32 v1, v23;
	[tilespmem:v21+s11+$0x0] =	vst.idx.add.f32.msk $0xffff, v19  }
0x1dd: {  	s17 =	sadd.s32 $0x20, s17;
	v19 =	vld [tilespmem:s15+$0x0];
	v21 =	vor.u32 v1, v24;
	v22 =	vmov v25  }
0x1de: {  	_ =	sdelay $0x3  }
0x1df: {  	[tilespmem:v20+s10+$0x0] =	vst.idx.add.f32.msk $0xffff, v2  }
0x1e0: {  	[tilespmem:v21+s10+$0x0] =	vst.idx.add.f32.msk $0xffff, v2  }
0x1e1: {  	[tilespmem:v20+s11+$0x0] =	vst.idx.add.f32.msk $0xffff, v22  }
0x1e2: {  	[tilespmem:v21+s11+$0x0] =	vst.idx.add.f32.msk $0xffff, v19  }
0x1e3: {  	_ =	swait.ge [sflag:s12], $0x4000  }
0x1e4: {  	[sflag:s12] =	ssyncset.done $0x0  }
0x1e5: {  	[sflag:s12] =	ssyncadd.s32 $0xFFFFC000  }
0x1e6: {  	_ =	swait.ge [sflag:s12], $0x4000  }
0x1e7: {  	[sflag:s12] =	ssyncset.done $0x0  }
0x1e8: {  	s15 =	simm.s32 $0x4010;
	[sflag:s12] =	ssyncadd.s32 $0xFFFFC000  }
0x1e9: {  	v19 =	vld [tilespmem:s15+$0xFFFFFFF0]  }
0x1ea: {  	v20 =	vld [tilespmem:s15+$0x0];
	_ =	sdelay $0x3  }
0x1eb: {  	s15 =	simm.s32 $0xC010;
	v19 =	vshll.u32 v19, $0x4  }
0x1ec: {  	v22 =	vld [tilespmem:s15+$0xFFFFFFF0];
	v21 =	vshll.u32 v20, $0x4;
	v20 =	vor.u32 v1, v19  }
0x1ed: {  	s16 =	simm.s32 $0x0;
	s17 =	simm.s32 $0x4030;
	v19 =	vld [tilespmem:s15+$0x0];
	v21 =	vor.u32 v1, v21  }
.LBB2_34:
0x1ee: {  	v23 =	vld [tilespmem:s17+$0xFFFFFFF0]  }
0x1ef: {  	s15 =	sadd.s32 $0x20, s15;
	s16 =	sadd.s32 $0x2, s16;
	v24 =	vld [tilespmem:s17+$0x0]  }
0x1f0: {  	p0 =	slt.u32 s16, $0x3FE;
	v25 =	vld [tilespmem:s15+$0xFFFFFFF0]  }
.Ltmp16:
0x1f1: {  	[tilespmem:v20+s10+$0x0] =	vst.idx.add.f32.msk $0xffff, v2;
	(pc) =	sbr.rel @p0 .LBB2_34-.Ltmp16, $4  }
0x1f2: {  	[tilespmem:v21+s10+$0x0] =	vst.idx.add.f32.msk $0xffff, v2  }
0x1f3: {  	v23 =	vshll.u32 v23, $0x4;
	[tilespmem:v20+s11+$0x0] =	vst.idx.add.f32.msk $0xffff, v22  }
0x1f4: {  	v24 =	vshll.u32 v24, $0x4;
	v20 =	vor.u32 v1, v23;
	[tilespmem:v21+s11+$0x0] =	vst.idx.add.f32.msk $0xffff, v19  }
0x1f5: {  	s17 =	sadd.s32 $0x20, s17;
	v19 =	vld [tilespmem:s15+$0x0];
	v21 =	vor.u32 v1, v24;
	v22 =	vmov v25  }
0x1f6: {  	s16 =	simm.s32 $0x0  }
0x1f7: {  	v23 =	vmov s16  }
0x1f8: {  	v23 =	vshll.u32 v23, $0x4  }
0x1f9: {  	v23 =	vor.u32 v3, v23  }
0x1fa: {  	v24 =	vor.u32 v1, v23  }
0x1fb: {  	[tilespmem:v20+s10+$0x0] =	vst.idx.add.f32.msk $0xffff, v2  }
0x1fc: {  	[tilespmem:v21+s10+$0x0] =	vst.idx.add.f32.msk $0xffff, v2;
	v25 =	vor.u32 v4, v23  }
0x1fd: {  	[tilespmem:v20+s11+$0x0] =	vst.idx.add.f32.msk $0xffff, v22  }
0x1fe: {  	[tilespmem:v21+s11+$0x0] =	vst.idx.add.f32.msk $0xffff, v19;
	v19 =	vor.u32 v5, v23  }
0x1ff: {  	v20 =	vld.idx.msk [tilespmem:v24+s10+$0x0], $0xffff  }
0x200: {  	v22 =	vor.u32 v6, v23;
	v21 =	vld.idx.msk [tilespmem:v24+s11+$0x0], $0xffff  }
0x201: {  	v24 =	vld.idx.msk [tilespmem:v25+s10+$0x0], $0xffff  }
0x202: {  	v26 =	vor.u32 v7, v23;
	v25 =	vld.idx.msk [tilespmem:v25+s11+$0x0], $0xffff  }
0x203: {  	v27 =	vld.idx.msk [tilespmem:v19+s10+$0x0], $0xffff  }
0x204: {  	v28 =	vor.u32 v8, v23;
	v19 =	vld.idx.msk [tilespmem:v19+s11+$0x0], $0xffff;
	v20 =	vadd.f32 $0.0e+00, v20  }
0x205: {  	v29 =	vld.idx.msk [tilespmem:v22+s10+$0x0], $0xffff;
	v21 =	vadd.f32 $0.0e+00, v21  }
0x206: {  	v30 =	vor.u32 v9, v23;
	v22 =	vld.idx.msk [tilespmem:v22+s11+$0x0], $0xffff;
	v20 =	vadd.f32 v24, v20  }
0x207: {  	v24 =	vld.idx.msk [tilespmem:v26+s10+$0x0], $0xffff;
	v21 =	vadd.f32 v25, v21  }
0x208: {  	v25 =	vld.idx.msk [tilespmem:v26+s11+$0x0], $0xffff;
	v26 =	vor.u32 v10, v23;
	v20 =	vadd.f32 v27, v20  }
0x209: {  	v27 =	vld.idx.msk [tilespmem:v28+s10+$0x0], $0xffff;
	v19 =	vadd.f32 v19, v21  }
0x20a: {  	v44 =	vor.u32 v11, v23;
	v21 =	vld.idx.msk [tilespmem:v28+s11+$0x0], $0xffff;
	v20 =	vadd.f32 v29, v20  }
0x20b: {  	v45 =	vld.idx.msk [tilespmem:v30+s10+$0x0], $0xffff;
	v19 =	vadd.f32 v22, v19  }
0x20c: {  	v46 =	vor.u32 v12, v23;
	v22 =	vld.idx.msk [tilespmem:v30+s11+$0x0], $0xffff;
	v20 =	vadd.f32 v24, v20  }
0x20d: {  	v24 =	vld.idx.msk [tilespmem:v26+s10+$0x0], $0xffff;
	v19 =	vadd.f32 v25, v19  }
0x20e: {  	v25 =	vld.idx.msk [tilespmem:v26+s11+$0x0], $0xffff;
	v26 =	vor.u32 v13, v23;
	v20 =	vadd.f32 v27, v20  }
0x20f: {  	v27 =	vld.idx.msk [tilespmem:v44+s10+$0x0], $0xffff;
	v19 =	vadd.f32 v21, v19  }
0x210: {  	v47 =	vor.u32 v14, v23;
	v21 =	vld.idx.msk [tilespmem:v44+s11+$0x0], $0xffff;
	v20 =	vadd.f32 v45, v20  }
0x211: {  	v48 =	vld.idx.msk [tilespmem:v46+s10+$0x0], $0xffff;
	v19 =	vadd.f32 v22, v19  }
0x212: {  	v49 =	vor.u32 v15, v23;
	v22 =	vld.idx.msk [tilespmem:v46+s11+$0x0], $0xffff;
	v20 =	vadd.f32 v24, v20  }
0x213: {  	v24 =	vld.idx.msk [tilespmem:v26+s10+$0x0], $0xffff;
	v19 =	vadd.f32 v25, v19  }
0x214: {  	v25 =	vld.idx.msk [tilespmem:v26+s11+$0x0], $0xffff;
	v26 =	vor.u32 v16, v23;
	v20 =	vadd.f32 v27, v20  }
0x215: {  	v27 =	vld.idx.msk [tilespmem:v47+s10+$0x0], $0xffff;
	v19 =	vadd.f32 v21, v19  }
0x216: {  	v50 =	vor.u32 v17, v23;
	v21 =	vld.idx.msk [tilespmem:v47+s11+$0x0], $0xffff;
	v20 =	vadd.f32 v48, v20  }
0x217: {  	v51 =	vld.idx.msk [tilespmem:v49+s10+$0x0], $0xffff;
	v19 =	vadd.f32 v22, v19  }
0x218: {  	v23 =	vor.u32 v18, v23;
	v22 =	vld.idx.msk [tilespmem:v49+s11+$0x0], $0xffff;
	v20 =	vadd.f32 v24, v20  }
0x219: {  	v24 =	vld.idx.msk [tilespmem:v26+s10+$0x0], $0xffff;
	v19 =	vadd.f32 v25, v19  }
0x21a: {  	v25 =	vld.idx.msk [tilespmem:v26+s11+$0x0], $0xffff;
	v20 =	vadd.f32 v27, v20  }
0x21b: {  	v26 =	vld.idx.msk [tilespmem:v50+s10+$0x0], $0xffff;
	v19 =	vadd.f32 v21, v19  }
0x21c: {  	v21 =	vld.idx.msk [tilespmem:v50+s11+$0x0], $0xffff;
	v20 =	vadd.f32 v51, v20  }
0x21d: {  	s15 =	simm.s32 $0x10;
	v27 =	vld.idx.msk [tilespmem:v23+s10+$0x0], $0xffff;
	v19 =	vadd.f32 v22, v19  }
0x21e: {  	v22 =	vld.idx.msk [tilespmem:v23+s11+$0x0], $0xffff;
	v23 =	vmov s15;
	v20 =	vadd.f32 v24, v20  }
0x21f: {  	v23 =	vshll.u32 v23, $0x4;
	v19 =	vadd.f32 v25, v19  }
0x220: {  	v23 =	vor.u32 v3, v23;
	v20 =	vadd.f32 v26, v20  }
0x221: {  	v24 =	vor.u32 v1, v23;
	v19 =	vadd.f32 v21, v19  }
0x222: {  	v20 =	vadd.f32 v27, v20  }
0x223: {  	s17 =	simm.s32 $0x18000;
	v21 =	vor.u32 v4, v23;
	v19 =	vadd.f32 v22, v19  }
0x224: {  	s16 =	sand.u32 $0x3F0, s16;
	[tilespmem:s17+$0x0] =	vst v20  }
0x225: {  	v20 =	vor.u32 v5, v23;
	[tilespmem:s16+$0x18400] =	vst v19  }
0x226: {  	v19 =	vld.idx.msk [tilespmem:v24+s10+$0x0], $0xffff  }
0x227: {  	v22 =	vld.idx.msk [tilespmem:v24+s11+$0x0], $0xffff;
	v24 =	vor.u32 v6, v23  }
0x228: {  	v25 =	vld.idx.msk [tilespmem:v21+s10+$0x0], $0xffff  }
0x229: {  	v26 =	vor.u32 v7, v23;
	v21 =	vld.idx.msk [tilespmem:v21+s11+$0x0], $0xffff  }
0x22a: {  	v27 =	vld.idx.msk [tilespmem:v20+s10+$0x0], $0xffff  }
0x22b: {  	v52 =	vor.u32 v8, v23;
	v20 =	vld.idx.msk [tilespmem:v20+s11+$0x0], $0xffff;
	v19 =	vadd.f32 $0.0e+00, v19  }
0x22c: {  	v53 =	vld.idx.msk [tilespmem:v24+s10+$0x0], $0xffff;
	v22 =	vadd.f32 $0.0e+00, v22  }
0x22d: {  	v54 =	vor.u32 v9, v23;
	v24 =	vld.idx.msk [tilespmem:v24+s11+$0x0], $0xffff;
	v19 =	vadd.f32 v25, v19  }
0x22e: {  	v25 =	vld.idx.msk [tilespmem:v26+s10+$0x0], $0xffff;
	v21 =	vadd.f32 v21, v22  }
0x22f: {  	v22 =	vld.idx.msk [tilespmem:v26+s11+$0x0], $0xffff;
	v26 =	vor.u32 v10, v23;
	v19 =	vadd.f32 v27, v19  }
0x230: {  	v27 =	vld.idx.msk [tilespmem:v52+s10+$0x0], $0xffff;
	v20 =	vadd.f32 v20, v21  }
0x231: {  	v55 =	vor.u32 v11, v23;
	v21 =	vld.idx.msk [tilespmem:v52+s11+$0x0], $0xffff;
	v19 =	vadd.f32 v53, v19  }
0x232: {  	v56 =	vld.idx.msk [tilespmem:v54+s10+$0x0], $0xffff;
	v20 =	vadd.f32 v24, v20  }
0x233: {  	v57 =	vor.u32 v12, v23;
	v24 =	vld.idx.msk [tilespmem:v54+s11+$0x0], $0xffff;
	v19 =	vadd.f32 v25, v19  }
0x234: {  	v25 =	vld.idx.msk [tilespmem:v26+s10+$0x0], $0xffff;
	v20 =	vadd.f32 v22, v20  }
0x235: {  	v22 =	vld.idx.msk [tilespmem:v26+s11+$0x0], $0xffff;
	v26 =	vor.u32 v13, v23;
	v19 =	vadd.f32 v27, v19  }
0x236: {  	v27 =	vld.idx.msk [tilespmem:v55+s10+$0x0], $0xffff;
	v20 =	vadd.f32 v21, v20  }
0x237: {  	v58 =	vor.u32 v14, v23;
	v21 =	vld.idx.msk [tilespmem:v55+s11+$0x0], $0xffff;
	v19 =	vadd.f32 v56, v19  }
0x238: {  	v59 =	vld.idx.msk [tilespmem:v57+s10+$0x0], $0xffff;
	v20 =	vadd.f32 v24, v20  }
0x239: {  	v60 =	vor.u32 v15, v23;
	v24 =	vld.idx.msk [tilespmem:v57+s11+$0x0], $0xffff;
	v19 =	vadd.f32 v25, v19  }
0x23a: {  	v25 =	vld.idx.msk [tilespmem:v26+s10+$0x0], $0xffff;
	v20 =	vadd.f32 v22, v20  }
0x23b: {  	v22 =	vld.idx.msk [tilespmem:v26+s11+$0x0], $0xffff;
	v26 =	vor.u32 v16, v23;
	v19 =	vadd.f32 v27, v19  }
0x23c: {  	v27 =	vld.idx.msk [tilespmem:v58+s10+$0x0], $0xffff;
	v20 =	vadd.f32 v21, v20  }
0x23d: {  	v61 =	vor.u32 v17, v23;
	v21 =	vld.idx.msk [tilespmem:v58+s11+$0x0], $0xffff;
	v19 =	vadd.f32 v59, v19  }
0x23e: {  	v62 =	vld.idx.msk [tilespmem:v60+s10+$0x0], $0xffff;
	v20 =	vadd.f32 v24, v20  }
0x23f: {  	v23 =	vor.u32 v18, v23;
	v24 =	vld.idx.msk [tilespmem:v60+s11+$0x0], $0xffff;
	v19 =	vadd.f32 v25, v19  }
0x240: {  	v25 =	vld.idx.msk [tilespmem:v26+s10+$0x0], $0xffff;
	v20 =	vadd.f32 v22, v20  }
0x241: {  	v26 =	vld.idx.msk [tilespmem:v26+s11+$0x0], $0xffff;
	v22 =	vadd.f32 v27, v19  }
0x242: {  	v21 =	vadd.f32 v21, v20;
	v19 =	vld.idx.msk [tilespmem:v61+s10+$0x0], $0xffff  }
0x243: {  	v20 =	vld.idx.msk [tilespmem:v61+s11+$0x0], $0xffff;
	v27 =	vadd.f32 v62, v22  }
0x244: {  	s16 =	simm.s32 $0x20;
	v24 =	vadd.f32 v24, v21;
	v21 =	vld.idx.msk [tilespmem:v23+s10+$0x0], $0xffff  }
0x245: {  	v63 =	vmov s16;
	v22 =	vld.idx.msk [tilespmem:v23+s11+$0x0], $0xffff;
	v23 =	vadd.f32 v25, v27  }
0x246: {  	s18 =	simm.s32 $0x30;
	v25 =	vshll.u32 v63, $0x4;
	v24 =	vadd.f32 v26, v24  }
.LBB2_36:
0x247: {  	p0 =	sne.s32 s18, $0x3F0;
	v25 =	vor.u32 v3, v25;
	v19 =	vadd.f32 v19, v23  }
0x248: {  	v23 =	vor.u32 v1, v25;
	v20 =	vadd.f32 v20, v24  }
0x249: {  	v19 =	vadd.f32 v21, v19  }
0x24a: {  	s17 =	sadd.s32 $0x10, s17;
	v21 =	vor.u32 v4, v25;
	v20 =	vadd.f32 v22, v20  }
0x24b: {  	s19 =	sand.u32 $0x3F0, s15;
	s15 =	smov.u32 s16;
	s16 =	smov.u32 s18;
	[tilespmem:s17+$0x0] =	vst v19  }
0x24c: {  	v19 =	vor.u32 v5, v25;
	[tilespmem:s19+$0x18400] =	vst v20  }
0x24d: {  	v20 =	vld.idx.msk [tilespmem:v23+s10+$0x0], $0xffff  }
0x24e: {  	v22 =	vld.idx.msk [tilespmem:v23+s11+$0x0], $0xffff;
	v23 =	vor.u32 v6, v25  }
0x24f: {  	v24 =	vld.idx.msk [tilespmem:v21+s10+$0x0], $0xffff  }
0x250: {  	v26 =	vor.u32 v7, v25;
	v21 =	vld.idx.msk [tilespmem:v21+s11+$0x0], $0xffff  }
0x251: {  	v27 =	vld.idx.msk [tilespmem:v19+s10+$0x0], $0xffff  }
0x252: {  	v28 =	vor.u32 v8, v25;
	v19 =	vld.idx.msk [tilespmem:v19+s11+$0x0], $0xffff  }
0x253: {  	v20 =	vadd.f32 $0.0e+00, v20;
	v29 =	vld.idx.msk [tilespmem:v23+s10+$0x0], $0xffff  }
0x254: {  	v30 =	vor.u32 v9, v25;
	v22 =	vadd.f32 $0.0e+00, v22;
	v23 =	vld.idx.msk [tilespmem:v23+s11+$0x0], $0xffff  }
0x255: {  	v20 =	vadd.f32 v24, v20;
	v24 =	vld.idx.msk [tilespmem:v26+s10+$0x0], $0xffff  }
0x256: {  	v21 =	vadd.f32 v21, v22;
	v22 =	vld.idx.msk [tilespmem:v26+s11+$0x0], $0xffff;
	v26 =	vor.u32 v10, v25  }
0x257: {  	v20 =	vadd.f32 v27, v20;
	v27 =	vld.idx.msk [tilespmem:v28+s10+$0x0], $0xffff  }
0x258: {  	v19 =	vadd.f32 v19, v21;
	v21 =	vld.idx.msk [tilespmem:v28+s11+$0x0], $0xffff;
	v28 =	vor.u32 v11, v25  }
0x259: {  	v20 =	vadd.f32 v29, v20;
	v29 =	vld.idx.msk [tilespmem:v30+s10+$0x0], $0xffff  }
0x25a: {  	v19 =	vadd.f32 v23, v19;
	v23 =	vld.idx.msk [tilespmem:v30+s11+$0x0], $0xffff;
	v30 =	vor.u32 v12, v25  }
0x25b: {  	v20 =	vadd.f32 v24, v20;
	v24 =	vld.idx.msk [tilespmem:v26+s10+$0x0], $0xffff  }
0x25c: {  	v19 =	vadd.f32 v22, v19;
	v22 =	vld.idx.msk [tilespmem:v26+s11+$0x0], $0xffff;
	v26 =	vor.u32 v13, v25  }
0x25d: {  	v20 =	vadd.f32 v27, v20;
	v27 =	vld.idx.msk [tilespmem:v28+s10+$0x0], $0xffff  }
0x25e: {  	v19 =	vadd.f32 v21, v19;
	v21 =	vld.idx.msk [tilespmem:v28+s11+$0x0], $0xffff;
	v28 =	vor.u32 v14, v25  }
0x25f: {  	v20 =	vadd.f32 v29, v20;
	v29 =	vld.idx.msk [tilespmem:v30+s10+$0x0], $0xffff  }
0x260: {  	v19 =	vadd.f32 v23, v19;
	v23 =	vld.idx.msk [tilespmem:v30+s11+$0x0], $0xffff;
	v30 =	vor.u32 v15, v25  }
0x261: {  	v20 =	vadd.f32 v24, v20;
	v24 =	vld.idx.msk [tilespmem:v26+s10+$0x0], $0xffff  }
0x262: {  	v19 =	vadd.f32 v22, v19;
	v22 =	vld.idx.msk [tilespmem:v26+s11+$0x0], $0xffff;
	v26 =	vor.u32 v16, v25  }
0x263: {  	v20 =	vadd.f32 v27, v20;
	v27 =	vld.idx.msk [tilespmem:v28+s10+$0x0], $0xffff  }
0x264: {  	v19 =	vadd.f32 v21, v19;
	v21 =	vld.idx.msk [tilespmem:v28+s11+$0x0], $0xffff;
	v28 =	vor.u32 v17, v25  }
0x265: {  	v20 =	vadd.f32 v29, v20;
	v29 =	vld.idx.msk [tilespmem:v30+s10+$0x0], $0xffff  }
0x266: {  	v25 =	vor.u32 v18, v25;
	v19 =	vadd.f32 v23, v19;
	v23 =	vld.idx.msk [tilespmem:v30+s11+$0x0], $0xffff  }
0x267: {  	v20 =	vadd.f32 v24, v20;
	v24 =	vld.idx.msk [tilespmem:v26+s10+$0x0], $0xffff  }
0x268: {  	v22 =	vadd.f32 v22, v19;
	v26 =	vld.idx.msk [tilespmem:v26+s11+$0x0], $0xffff  }
0x269: {  	v27 =	vadd.f32 v27, v20;
	v19 =	vld.idx.msk [tilespmem:v28+s10+$0x0], $0xffff  }
.Ltmp17:
0x26a: {  	v22 =	vadd.f32 v21, v22;
	v20 =	vld.idx.msk [tilespmem:v28+s11+$0x0], $0xffff;
	(pc) =	sbr.rel @p0 .LBB2_36-.Ltmp17, $4  }
0x26b: {  	v27 =	vadd.f32 v29, v27;
	v21 =	vld.idx.msk [tilespmem:v25+s10+$0x0], $0xffff  }
0x26c: {  	v28 =	vadd.f32 v23, v22;
	v22 =	vld.idx.msk [tilespmem:v25+s11+$0x0], $0xffff  }
0x26d: {  	v25 =	vmov s18;
	v23 =	vadd.f32 v24, v27  }
0x26e: {  	s18 =	sadd.s32 $0x10, s18;
	v25 =	vshll.u32 v25, $0x4;
	v24 =	vadd.f32 v26, v28  }
0x26f: {  	v25 =	vor.u32 v3, v25;
	v19 =	vadd.f32 v19, v23  }
0x270: {  	v58 =	vor.u32 v1, v25;
	v20 =	vadd.f32 v20, v24  }
0x271: {  	v19 =	vadd.f32 v21, v19  }
0x272: {  	s17 =	sadd.s32 $0x10, s17;
	v59 =	vor.u32 v4, v25;
	v20 =	vadd.f32 v22, v20  }
0x273: {  	s15 =	sand.u32 $0x3F0, s15;
	[tilespmem:s17+$0x0] =	vst v19  }
0x274: {  	v19 =	vor.u32 v5, v25;
	[tilespmem:s15+$0x18400] =	vst v20  }
0x275: {  	v20 =	vld.idx.msk [tilespmem:v58+s10+$0x0], $0xffff  }
0x276: {  	v61 =	vor.u32 v6, v25;
	v60 =	vld.idx.msk [tilespmem:v58+s11+$0x0], $0xffff  }
0x277: {  	v62 =	vld.idx.msk [tilespmem:v59+s10+$0x0], $0xffff  }
0x278: {  	v26 =	vor.u32 v7, v25;
	v21 =	vld.idx.msk [tilespmem:v59+s11+$0x0], $0xffff  }
0x279: {  	v27 =	vld.idx.msk [tilespmem:v19+s10+$0x0], $0xffff  }
0x27a: {  	v28 =	vor.u32 v8, v25;
	v19 =	vld.idx.msk [tilespmem:v19+s11+$0x0], $0xffff;
	v20 =	vadd.f32 $0.0e+00, v20  }
0x27b: {  	v29 =	vld.idx.msk [tilespmem:v61+s10+$0x0], $0xffff;
	v22 =	vadd.f32 $0.0e+00, v60  }
0x27c: {  	v30 =	vor.u32 v9, v25;
	v23 =	vld.idx.msk [tilespmem:v61+s11+$0x0], $0xffff;
	v20 =	vadd.f32 v62, v20  }
0x27d: {  	v63 =	vld.idx.msk [tilespmem:v26+s10+$0x0], $0xffff;
	v21 =	vadd.f32 v21, v22  }
0x27e: {  	v34 =	vor.u32 v10, v25;
	v33 =	vld.idx.msk [tilespmem:v26+s11+$0x0], $0xffff;
	v20 =	vadd.f32 v27, v20  }
0x27f: {  	v35 =	vld.idx.msk [tilespmem:v28+s10+$0x0], $0xffff;
	v19 =	vadd.f32 v19, v21  }
0x280: {  	v37 =	vor.u32 v11, v25;
	v36 =	vld.idx.msk [tilespmem:v28+s11+$0x0], $0xffff;
	v20 =	vadd.f32 v29, v20  }
0x281: {  	v38 =	vld.idx.msk [tilespmem:v30+s10+$0x0], $0xffff;
	v19 =	vadd.f32 v23, v19  }
0x282: {  	v40 =	vor.u32 v12, v25;
	v39 =	vld.idx.msk [tilespmem:v30+s11+$0x0], $0xffff;
	v20 =	vadd.f32 v63, v20  }
0x283: {  	v41 =	vld.idx.msk [tilespmem:v34+s10+$0x0], $0xffff;
	v19 =	vadd.f32 v33, v19  }
0x284: {  	v43 =	vor.u32 v13, v25;
	v42 =	vld.idx.msk [tilespmem:v34+s11+$0x0], $0xffff;
	v20 =	vadd.f32 v35, v20  }
0x285: {  	v44 =	vld.idx.msk [tilespmem:v37+s10+$0x0], $0xffff;
	v19 =	vadd.f32 v36, v19  }
0x286: {  	v46 =	vor.u32 v14, v25;
	v45 =	vld.idx.msk [tilespmem:v37+s11+$0x0], $0xffff;
	v20 =	vadd.f32 v38, v20  }
0x287: {  	v47 =	vld.idx.msk [tilespmem:v40+s10+$0x0], $0xffff;
	v19 =	vadd.f32 v39, v19  }
0x288: {  	v49 =	vor.u32 v15, v25;
	v48 =	vld.idx.msk [tilespmem:v40+s11+$0x0], $0xffff;
	v20 =	vadd.f32 v41, v20  }
0x289: {  	v50 =	vld.idx.msk [tilespmem:v43+s10+$0x0], $0xffff;
	v19 =	vadd.f32 v42, v19  }
0x28a: {  	v52 =	vor.u32 v16, v25;
	v51 =	vld.idx.msk [tilespmem:v43+s11+$0x0], $0xffff;
	v20 =	vadd.f32 v44, v20  }
0x28b: {  	v53 =	vld.idx.msk [tilespmem:v46+s10+$0x0], $0xffff;
	v19 =	vadd.f32 v45, v19  }
0x28c: {  	v55 =	vor.u32 v17, v25;
	v54 =	vld.idx.msk [tilespmem:v46+s11+$0x0], $0xffff;
	v20 =	vadd.f32 v47, v20  }
0x28d: {  	v56 =	vld.idx.msk [tilespmem:v49+s10+$0x0], $0xffff;
	v19 =	vadd.f32 v48, v19  }
0x28e: {  	v25 =	vor.u32 v18, v25;
	v57 =	vld.idx.msk [tilespmem:v49+s11+$0x0], $0xffff;
	v20 =	vadd.f32 v50, v20  }
0x28f: {  	v58 =	vld.idx.msk [tilespmem:v52+s10+$0x0], $0xffff;
	v19 =	vadd.f32 v51, v19  }
0x290: {  	v59 =	vld.idx.msk [tilespmem:v52+s11+$0x0], $0xffff;
	v20 =	vadd.f32 v53, v20  }
0x291: {  	v60 =	vld.idx.msk [tilespmem:v55+s10+$0x0], $0xffff;
	v19 =	vadd.f32 v54, v19  }
0x292: {  	v61 =	vld.idx.msk [tilespmem:v55+s11+$0x0], $0xffff;
	v20 =	vadd.f32 v56, v20  }
0x293: {  	v62 =	vld.idx.msk [tilespmem:v25+s10+$0x0], $0xffff;
	v19 =	vadd.f32 v57, v19  }
0x294: {  	v63 =	vld.idx.msk [tilespmem:v25+s11+$0x0], $0xffff;
	v20 =	vadd.f32 v58, v20  }
0x295: {  	v19 =	vadd.f32 v59, v19  }
0x296: {  	v20 =	vadd.f32 v60, v20  }
0x297: {  	v19 =	vadd.f32 v61, v19  }
0x298: {  	v20 =	vadd.f32 v62, v20  }
0x299: {  	s14 =	sadd.s32 $0x1, s14;
	s19 =	sadd.s32 $0x10, s17;
	v19 =	vadd.f32 v63, v19  }
0x29a: {  	s16 =	sand.u32 $0x3F0, s16;
	s18 =	simm.s32 $0x400;
	p0 =	sne.s32 s14, s5;
	[tilespmem:s19+$0x0] =	vst v20  }
.Ltmp18:
0x29b: {  	s17 =	simm.s32 $0x80;
	s19 =	simm.s32 $0x18000;
	[tilespmem:s16+$0x18400] =	vst v19;
	(pc) =	sbr.rel @p0 .LBB2_1-.Ltmp18, $4  }
0x29c: {  	[hbm4b:s4+s17] =	stream.strided.scatter [tilespmem:s19], [sflag:$0x3], $0x800, s18, s17, $0x38;
	[tilespmem:$0x18800] =	vst v63  }
0x29d: {  	_ =	swait.ge [sflag:s13], $0x800  }
0x29e: {  	[sflag:s13] =	ssyncset.done $0x0  }
0x29f: {  	[sflag:s13] =	ssyncadd.s32 $0xFFFFF800  }
0x2a0: {  	_ =	sfence.sel $0x180000  }
0x2a1: {  	[bflag:$0x0] =	sbarrier.arrive $0xFFFF  }
0x2a2: {  	_ =	strace $0x90000047  }
0x2a3: {  	s0 =	stileid.u32;
	[bflag:$0x2] =	sbarrier.arrive $0xFFFF  }
0x2a4: {  	p0 =	sne.s32 s0, $0x0;
	s0 =	rddreg [dreg:$0x3]  }
0x2a5: {  	s0 =	sadd.s32 @!p0 $0x100000, s0  }
0x2a6: {  	[sflag:s0] =	ssyncadd.tile.s32 @!p0 $0x1;
	_ =	shalt  }
.Lfunc_end2:
_tile_overlayer_lowered:
.L_overlay_start_2:
0x2a7: {  	(tag) =	ssettag $0x2  }
0x2a8: {  	s0 =	rddreg [dreg:$0x0];
	s2 =	stileid.u32  }
0x2a9: {  	s1 =	rddreg [dreg:$0x1];
	p0 =	sne.s32 s2, $0x0  }
0x2aa: {  	s3 =	rddreg [dreg:$0x2];
	[bflag:$0x3] =	sbarrier.arrive $0xFFFF;
	s2 =	simm.s32 @!p0 $0x1C03  }
0x2ab: {  	[timem:s3], [sflag:s2] =	dma.local @!p0 [hbm:s0], s1  }
0x2ac: {  	s0 =	simm.s32 @!p0 $0x3  }
0x2ad: {  	_ =	swait.ge @!p0 [sflag:s0], s1  }
0x2ae: {  	s1 =	ssub.s32 @!p0 $0x0, s1;
	[sflag:s0] =	ssyncset.done @!p0 $0x0  }
0x2af: {  	[sflag:s0] =	ssyncadd.s32 @!p0 s1  }
0x2b0: {  	[bflag:$0x3] =	sbarrier.arrive $0xFFFF  }
0x2b1: {  	_ =	shalt  }

</sc_bundles>
